<compile_context>
chip_gen: v7x
topology: tpu7x:2x2x1
jax: 0.10.2.dev20260603
libtpu: 0.0.44.dev20260713+nightly
codegen_flags: <defaults>
</compile_context>

<pallas_src>
import functools

import jax
import jax.numpy as jnp
from jax import lax
from jax.experimental import pallas as pl
from jax.experimental.pallas import tpu as pltpu
from jax.experimental.pallas import tpu_sc as plsc



def _mm_body(x_ref, w_ref, b_ref, o_ref):
    acc = lax.dot_general(
        x_ref[...], w_ref[...],
        dimension_numbers=(((1,), (1,)), ((), ())),
        preferred_element_type=jnp.float32,
    )
    o_ref[...] = acc + b_ref[...]


def _matmul(x, W, b, blk):
    M, D = x.shape
    grid = (M // blk,)
    return pl.pallas_call(
        _mm_body,
        grid=grid,
        in_specs=[
            pl.BlockSpec((blk, D), lambda i: (i, 0)),
            pl.BlockSpec(W.shape, lambda i: (0, 0)),
            pl.BlockSpec((1, D), lambda i: (0, 0)),
        ],
        out_specs=pl.BlockSpec((blk, D), lambda i: (i, 0)),
        out_shape=jax.ShapeDtypeStruct((M, D), jnp.float32),
    )(x, W, b.reshape(1, D))



def _ln_body(h_ref, a_ref, g_ref, be_ref, o_ref, *, scale):
    v = h_ref[...] + a_ref[...] * scale
    mean = jnp.mean(v, axis=-1, keepdims=True)
    cen = v - mean
    var = jnp.mean(cen * cen, axis=-1, keepdims=True)
    y = cen * lax.rsqrt(var + 1e-5) * g_ref[...] + be_ref[...]
    o_ref[...] = jnp.maximum(y, 0.0)


def _ln_relu(h, agg, gamma, beta, scale, blk):
    M, D = h.shape
    grid = (M // blk,)
    return pl.pallas_call(
        functools.partial(_ln_body, scale=scale),
        grid=grid,
        in_specs=[
            pl.BlockSpec((blk, D), lambda i: (i, 0)),
            pl.BlockSpec((blk, D), lambda i: (i, 0)),
            pl.BlockSpec((1, D), lambda i: (0, 0)),
            pl.BlockSpec((1, D), lambda i: (0, 0)),
        ],
        out_specs=pl.BlockSpec((blk, D), lambda i: (i, 0)),
        out_shape=jax.ShapeDtypeStruct((M, D), jnp.float32),
    )(h, agg, gamma.reshape(1, D), beta.reshape(1, D))



_CHUNK = 56
_GRP = 6
_NSUB = 16
_NCORE = 2


def _make_sc_agg(B, N, D, n_groups, row_a, row_b, n_pad):
    mesh = plsc.VectorSubcoreMesh(core_axis_name="c", subcore_axis_name="s")
    last = _NSUB - 1

    @functools.partial(
        pl.kernel,
        mesh=mesh,
        out_type=jax.ShapeDtypeStruct((B, N, D), jnp.float32),
        scratch_types=[
            pltpu.VMEM((_GRP, _CHUNK), jnp.int32),
            pltpu.VMEM((_GRP, _CHUNK), jnp.int32),
            pltpu.VMEM((_CHUNK, D), jnp.float32),
            pltpu.VMEM((_CHUNK, D), jnp.float32),
            pltpu.VMEM((_CHUNK, D), jnp.float32),
            pltpu.VMEM((_CHUNK, D), jnp.float32),
            pltpu.VMEM((_CHUNK, D), jnp.float32),
            pltpu.VMEM((_CHUNK, D), jnp.float32),
            pltpu.VMEM_SHARED((n_pad, D), jnp.float32),
            pltpu.SemaphoreType.DMA,
            pltpu.SemaphoreType.DMA,
        ],
    )
    def sc_agg(h_hbm, src_hbm, tgt_hbm, zeros_hbm, out_hbm,
               src_v, tgt_v, rows0_v, rows1_v, rows2_v, rows3_v, rows4_v,
               rows5_v, agg_sh, sem_g, sem_s):
        rows = (rows0_v, rows1_v, rows2_v, rows3_v, rows4_v, rows5_v)
        cid = lax.axis_index("c")
        sid = lax.axis_index("s")
        row0 = sid * row_a

        for j in range(B // _NCORE):
            batch = cid * (B // _NCORE) + j

            @pl.when(sid < last)
            def _():
                pltpu.sync_copy(zeros_hbm, agg_sh.at[pl.ds(row0, row_a)])

            @pl.when(sid == last)
            def _():
                pltpu.sync_copy(zeros_hbm.at[pl.ds(0, row_b)],
                                agg_sh.at[pl.ds(row0, row_b)])

            plsc.subcore_barrier()

            def group_body(g, carry):
                pltpu.sync_copy(src_hbm.at[batch, sid, g], src_v)
                pltpu.sync_copy(tgt_hbm.at[batch, sid, g], tgt_v)
                gathers = [None] * _GRP
                scatters = [None] * _GRP
                for k in range(_GRP):
                    gathers[k] = pltpu.async_copy(
                        h_hbm.at[src_v.at[k]], rows[k], sem_g)
                for p in range(0, _GRP, 3):
                    for q in range(p, p + 3):
                        gathers[q].wait()
                    for q in range(p, p + 3):
                        scatters[q] = pltpu.async_copy(
                            rows[q], agg_sh.at[tgt_v.at[q]], sem_s,
                            add=True)
                for k in range(_GRP):
                    scatters[k].wait()
                return carry

            lax.fori_loop(0, n_groups, group_body, 0)
            plsc.subcore_barrier()

            @pl.when(sid < last)
            def _():
                pltpu.sync_copy(agg_sh.at[pl.ds(row0, row_a)],
                                out_hbm.at[batch, pl.ds(row0, row_a)])

            @pl.when(sid == last)
            def _():
                pltpu.sync_copy(agg_sh.at[pl.ds(row0, row_b)],
                                out_hbm.at[batch, pl.ds(row0, row_b)])

    return sc_agg



def kernel(node_features, edge_index, W, b, gamma, beta):
    B, N, D = node_features.shape
    E = edge_index.shape[2]

    x = node_features.reshape(B * N, D)
    h = _matmul(x, W, b, blk=1000)

    ei = edge_index.astype(jnp.int32)
    src = ei[:, 0, :] + (jnp.arange(B, dtype=jnp.int32) * N)[:, None]
    tgt = ei[:, 1, :]

    unit = _NSUB * _GRP * _CHUNK
    ep = ((E + unit - 1) // unit) * unit
    pad = ep - E
    if pad:
        src = jnp.pad(src, ((0, 0), (0, pad)))
        tgt = jnp.pad(tgt, ((0, 0), (0, pad)), constant_values=N)
    n_groups = ep // unit
    src = src.reshape(B, _NSUB, n_groups, _GRP, _CHUNK)
    tgt = tgt.reshape(B, _NSUB, n_groups, _GRP, _CHUNK)

    row_a = 8 * ((N // _NSUB + 7) // 8)
    row_b = N - (_NSUB - 1) * row_a
    n_pad = N + 8
    zeros = jnp.zeros((row_a, D), jnp.float32)

    agg = _make_sc_agg(B, N, D, n_groups, row_a, row_b, n_pad)(
        h, src, tgt, zeros)

    out = _ln_relu(h, agg.reshape(B * N, D), gamma, beta,
                   scale=1.0 / (N ** 0.5), blk=1000)
    return out.reshape(B, N, D)

# --- scband reference (transcript-rebuilt; emitter-appended) ---
"""Pipeline reference for scband-gcnlayer-27685359190673 (READ-ONLY COPY).

The authoritative reference and input builder live on the scoring server;
editing this copy changes nothing except your own understanding.
"""

import jax, jax.numpy as jnp
import numpy as np


def setup_inputs(seed: int = 0) -> dict:
    key = jax.random.key(seed)
    k1, k2, k3, k4 = jax.random.split(key, 4)
    B, N, E, D_IN, D_OUT = 4, 10000, 320000, 128, 128
    node_features = jax.random.normal(k1, (B, N, D_IN), dtype=jnp.float32)
    edge_index = jax.random.randint(k2, (B, 2, E), 0, N, dtype=jnp.int64)
    # Linear layer params (PyTorch nn.Linear: y = x @ W.T + b)
    W = jax.random.normal(k3, (D_OUT, D_IN), dtype=jnp.float32) * (1.0 / np.sqrt(D_IN))
    b = jax.random.normal(k4, (D_OUT,), dtype=jnp.float32) * 0.01
    # LayerNorm params
    gamma = jnp.ones((D_OUT,), dtype=jnp.float32)
    beta = jnp.zeros((D_OUT,), dtype=jnp.float32)
    return {"node_features": node_features, "edge_index": edge_index, "W": W, "b": b, "gamma": gamma, "beta": beta}


def reference(node_features, edge_index, W, b, gamma, beta):
    B, N, D_IN = node_features.shape
    # Linear projection
    h = jnp.einsum('bnd,od->bno', node_features, W) + b
    # Per-batch scatter-add aggregation: aggregated[b, tgt] += h[b, src]
    def agg_one(hb, eb):
        src = eb[0]
        tgt = eb[1]
        msgs = jnp.take(hb, src, axis=0)  # gather source features [E, D_OUT]
        return jnp.zeros_like(hb).at[tgt].add(msgs)  # scatter-add to targets
    aggregated = jax.vmap(agg_one)(h, edge_index)
    h = h + aggregated / (N ** 0.5)
    # Dropout with p=0.0 is identity (eval-equivalent)
    # LayerNorm over last dim (eps=1e-5, matching torch default)
    mean = jnp.mean(h, axis=-1, keepdims=True)
    var = jnp.var(h, axis=-1, keepdims=True)
    h = (h - mean) / jnp.sqrt(var + 1e-5) * gamma + beta
    h = jax.nn.relu(h)
    return h

if __name__ == "__main__":
    import jax
    _d = setup_inputs()
    print(jax.jit(kernel)(*tuple(_d.values())))

</pallas_src>

<mosaic_0001>
#map = affine_map<(d0, d1) -> (0, 0)>
#map1 = affine_map<(d0, d1) -> (0, 0, 0, 0, 0)>
#map2 = affine_map<(d0, d1) -> (0, 0, 0)>
module attributes {stable_mosaic.version = 14 : i64} {
  func.func @sc_agg(%arg0: i32, %arg1: i32, %arg2: memref<40000x128xf32, #tpu.memory_space<hbm>>, %arg3: memref<4x16x60x6x56xi32, #tpu.memory_space<hbm>>, %arg4: memref<4x16x60x6x56xi32, #tpu.memory_space<hbm>>, %arg5: memref<632x128xf32, #tpu.memory_space<hbm>>, %arg6: memref<4x10000x128xf32, #tpu.memory_space<hbm>>, %arg7: memref<6x56xi32, #tpu.memory_space<vmem>>, %arg8: memref<6x56xi32, #tpu.memory_space<vmem>>, %arg9: memref<56x128xf32, #tpu.memory_space<vmem>>, %arg10: memref<56x128xf32, #tpu.memory_space<vmem>>, %arg11: memref<56x128xf32, #tpu.memory_space<vmem>>, %arg12: memref<56x128xf32, #tpu.memory_space<vmem>>, %arg13: memref<56x128xf32, #tpu.memory_space<vmem>>, %arg14: memref<56x128xf32, #tpu.memory_space<vmem>>, %arg15: memref<10008x128xf32, #tpu.memory_space<vmem_shared>>, %arg16: memref<!tpu.dma_semaphore, #tpu.memory_space<semaphore_mem>>, %arg17: memref<!tpu.dma_semaphore, #tpu.memory_space<semaphore_mem>>) attributes {dimension_semantics = [#tpu.dimension_semantics<core_parallel>, #tpu.dimension_semantics<subcore_parallel>], iteration_bounds = array<i64: 2, 16>, scalar_prefetch = 0 : i64, scratch_operands = 11 : i64, tpu.core_type = #tpu.core_type<sc_vector_subcore>, window_params = [{transform_indices = #map}, {transform_indices = #map1}, {transform_indices = #map1}, {transform_indices = #map}, {transform_indices = #map2}]} {
    %mul3A = arith.constant 632 : i32
    %mul3A_0 = arith.muli %arg1, %mul3A : i32
    %mul3A_1 = arith.constant 2 : i32
    %mul3A_2 = arith.muli %arg0, %mul3A_1 : i32
    %add3A = arith.constant 0 : i32
    %add3A_3 = arith.addi %mul3A_2, %add3A : i32
    %lt3A = arith.constant 15 : i32
    %lt3A_4 = arith.cmpi slt, %arg1, %lt3A : i32
    %convert_element_type3A = arith.extui %lt3A_4 : i1 to i32
    %cond3A = arith.constant 0 : i32
    %cond3A_5 = arith.cmpi ne, %convert_element_type3A, %cond3A : i32
    scf.if %cond3A_5 {
      "tpu.region"() ({
        %run_scoped3A = tpu.sem_alloc : memref<!tpu.dma_semaphore, #tpu.memory_space<semaphore_mem>>
        %dma_start3A = arith.constant 0 : i32
        %dma_start3A_58 = tpu.memref_slice %arg15[%mul3A_0, %dma_start3A] : memref<10008x128xf32, #tpu.memory_space<vmem_shared>> -> memref<632x128xf32, #tpu.memory_space<vmem_shared>>
        tpu.enqueue_dma source(%arg5 : memref<632x128xf32, #tpu.memory_space<hbm>>) target(%dma_start3A_58 : memref<632x128xf32, #tpu.memory_space<vmem_shared>>) target_semaphore(%run_scoped3A : memref<!tpu.dma_semaphore, #tpu.memory_space<semaphore_mem>>)
        %dma_wait3A = arith.constant 0 : i32
        %dma_wait3A_59 = tpu.memref_slice %arg15[%mul3A_0, %dma_wait3A] : memref<10008x128xf32, #tpu.memory_space<vmem_shared>> -> memref<632x128xf32, #tpu.memory_space<vmem_shared>>
        tpu.wait_dma2 semaphore(%run_scoped3A : memref<!tpu.dma_semaphore, #tpu.memory_space<semaphore_mem>>) src(%arg5 : memref<632x128xf32, #tpu.memory_space<hbm>>) dst(%dma_wait3A_59 : memref<632x128xf32, #tpu.memory_space<vmem_shared>>)
        tpu.yield
      }) : () -> ()
    } else {
    }
    %eq3A = arith.constant 15 : i32
    %eq3A_6 = arith.cmpi eq, %arg1, %eq3A : i32
    %convert_element_type3A_7 = arith.extui %eq3A_6 : i1 to i32
    %cond3A_8 = arith.constant 0 : i32
    %cond3A_9 = arith.cmpi ne, %convert_element_type3A_7, %cond3A_8 : i32
    scf.if %cond3A_9 {
      "tpu.region"() ({
        %run_scoped3A = tpu.sem_alloc : memref<!tpu.dma_semaphore, #tpu.memory_space<semaphore_mem>>
        %dma_start3A = arith.constant 0 : i32
        %dma_start3A_58 = tpu.memref_slice %arg15[%mul3A_0, %dma_start3A] : memref<10008x128xf32, #tpu.memory_space<vmem_shared>> -> memref<520x128xf32, #tpu.memory_space<vmem_shared>>
        %dma_start3A_59 = arith.constant 0 : i32
        %dma_start3A_60 = arith.constant 0 : i32
        %dma_start3A_61 = tpu.memref_slice %arg5[%dma_start3A_59, %dma_start3A_60] : memref<632x128xf32, #tpu.memory_space<hbm>> -> memref<520x128xf32, #tpu.memory_space<hbm>>
        tpu.enqueue_dma source(%dma_start3A_61 : memref<520x128xf32, #tpu.memory_space<hbm>>) target(%dma_start3A_58 : memref<520x128xf32, #tpu.memory_space<vmem_shared>>) target_semaphore(%run_scoped3A : memref<!tpu.dma_semaphore, #tpu.memory_space<semaphore_mem>>)
        %dma_wait3A = arith.constant 0 : i32
        %dma_wait3A_62 = tpu.memref_slice %arg15[%mul3A_0, %dma_wait3A] : memref<10008x128xf32, #tpu.memory_space<vmem_shared>> -> memref<520x128xf32, #tpu.memory_space<vmem_shared>>
        %dma_wait3A_63 = arith.constant 0 : i32
        %dma_wait3A_64 = arith.constant 0 : i32
        %dma_wait3A_65 = tpu.memref_slice %arg5[%dma_wait3A_63, %dma_wait3A_64] : memref<632x128xf32, #tpu.memory_space<hbm>> -> memref<520x128xf32, #tpu.memory_space<hbm>>
        tpu.wait_dma2 semaphore(%run_scoped3A : memref<!tpu.dma_semaphore, #tpu.memory_space<semaphore_mem>>) src(%dma_wait3A_65 : memref<520x128xf32, #tpu.memory_space<hbm>>) dst(%dma_wait3A_62 : memref<520x128xf32, #tpu.memory_space<vmem_shared>>)
        tpu.yield
      }) : () -> ()
    } else {
    }
    %barrier3A = arith.constant 0 : index
    tpu.barrier barrier_id(%barrier3A)
    %scan3A = arith.constant 0 : i32
    %scan3A_10 = arith.constant 0 : i32
    %scan3A_11 = arith.constant 60 : i32
    %scan3A_12 = arith.addi %scan3A_10, %scan3A_11 : i32
    %scan3A_13 = arith.constant 1 : i32
    scf.for %scan3A_58 = %scan3A_10 to %scan3A_12 step %scan3A_13  : i32 {
      "tpu.region"() ({
        %run_scoped3A = tpu.sem_alloc : memref<!tpu.dma_semaphore, #tpu.memory_space<semaphore_mem>>
        %dma_start3A_225 = arith.constant 0 : i32
        %dma_start3A_226 = arith.constant 0 : i32
        %dma_start3A_227 = tpu.memref_slice %arg3[%add3A_3, %arg1, %scan3A_58, %dma_start3A_225, %dma_start3A_226] : memref<4x16x60x6x56xi32, #tpu.memory_space<hbm>> -> memref<1x1x1x6x56xi32, #tpu.memory_space<hbm>>
        %dma_start3A_228 = tpu.memref_squeeze %dma_start3A_227 : memref<1x1x1x6x56xi32, #tpu.memory_space<hbm>> -> memref<6x56xi32, #tpu.memory_space<hbm>>
        %dma_start3A_229 = arith.constant 0 : i32
        %dma_start3A_230 = arith.constant 0 : i32
        %dma_start3A_231 = tpu.memref_slice %arg3[%add3A_3, %arg1, %scan3A_58, %dma_start3A_229, %dma_start3A_230] : memref<4x16x60x6x56xi32, #tpu.memory_space<hbm>> -> memref<1x1x1x6x56xi32, #tpu.memory_space<hbm>>
        %dma_start3A_232 = tpu.memref_squeeze %dma_start3A_231 : memref<1x1x1x6x56xi32, #tpu.memory_space<hbm>> -> memref<6x56xi32, #tpu.memory_space<hbm>>
        tpu.enqueue_dma source(%dma_start3A_232 : memref<6x56xi32, #tpu.memory_space<hbm>>) target(%arg7 : memref<6x56xi32, #tpu.memory_space<vmem>>) target_semaphore(%run_scoped3A : memref<!tpu.dma_semaphore, #tpu.memory_space<semaphore_mem>>)
        %dma_wait3A_233 = arith.constant 0 : i32
        %dma_wait3A_234 = arith.constant 0 : i32
        %dma_wait3A_235 = tpu.memref_slice %arg3[%add3A_3, %arg1, %scan3A_58, %dma_wait3A_233, %dma_wait3A_234] : memref<4x16x60x6x56xi32, #tpu.memory_space<hbm>> -> memref<1x1x1x6x56xi32, #tpu.memory_space<hbm>>
        %dma_wait3A_236 = tpu.memref_squeeze %dma_wait3A_235 : memref<1x1x1x6x56xi32, #tpu.memory_space<hbm>> -> memref<6x56xi32, #tpu.memory_space<hbm>>
        %dma_wait3A_237 = arith.constant 0 : i32
        %dma_wait3A_238 = arith.constant 0 : i32
        %dma_wait3A_239 = tpu.memref_slice %arg3[%add3A_3, %arg1, %scan3A_58, %dma_wait3A_237, %dma_wait3A_238] : memref<4x16x60x6x56xi32, #tpu.memory_space<hbm>> -> memref<1x1x1x6x56xi32, #tpu.memory_space<hbm>>
        %dma_wait3A_240 = tpu.memref_squeeze %dma_wait3A_239 : memref<1x1x1x6x56xi32, #tpu.memory_space<hbm>> -> memref<6x56xi32, #tpu.memory_space<hbm>>
        tpu.wait_dma2 semaphore(%run_scoped3A : memref<!tpu.dma_semaphore, #tpu.memory_space<semaphore_mem>>) src(%dma_wait3A_240 : memref<6x56xi32, #tpu.memory_space<hbm>>) dst(%arg7 : memref<6x56xi32, #tpu.memory_space<vmem>>)
        tpu.yield
      }) : () -> ()
      "tpu.region"() ({
        %run_scoped3A = tpu.sem_alloc : memref<!tpu.dma_semaphore, #tpu.memory_space<semaphore_mem>>
        %dma_start3A_225 = arith.constant 0 : i32
        %dma_start3A_226 = arith.constant 0 : i32
        %dma_start3A_227 = tpu.memref_slice %arg4[%add3A_3, %arg1, %scan3A_58, %dma_start3A_225, %dma_start3A_226] : memref<4x16x60x6x56xi32, #tpu.memory_space<hbm>> -> memref<1x1x1x6x56xi32, #tpu.memory_space<hbm>>
        %dma_start3A_228 = tpu.memref_squeeze %dma_start3A_227 : memref<1x1x1x6x56xi32, #tpu.memory_space<hbm>> -> memref<6x56xi32, #tpu.memory_space<hbm>>
        %dma_start3A_229 = arith.constant 0 : i32
        %dma_start3A_230 = arith.constant 0 : i32
        %dma_start3A_231 = tpu.memref_slice %arg4[%add3A_3, %arg1, %scan3A_58, %dma_start3A_229, %dma_start3A_230] : memref<4x16x60x6x56xi32, #tpu.memory_space<hbm>> -> memref<1x1x1x6x56xi32, #tpu.memory_space<hbm>>
        %dma_start3A_232 = tpu.memref_squeeze %dma_start3A_231 : memref<1x1x1x6x56xi32, #tpu.memory_space<hbm>> -> memref<6x56xi32, #tpu.memory_space<hbm>>
        tpu.enqueue_dma source(%dma_start3A_232 : memref<6x56xi32, #tpu.memory_space<hbm>>) target(%arg8 : memref<6x56xi32, #tpu.memory_space<vmem>>) target_semaphore(%run_scoped3A : memref<!tpu.dma_semaphore, #tpu.memory_space<semaphore_mem>>)
        %dma_wait3A_233 = arith.constant 0 : i32
        %dma_wait3A_234 = arith.constant 0 : i32
        %dma_wait3A_235 = tpu.memref_slice %arg4[%add3A_3, %arg1, %scan3A_58, %dma_wait3A_233, %dma_wait3A_234] : memref<4x16x60x6x56xi32, #tpu.memory_space<hbm>> -> memref<1x1x1x6x56xi32, #tpu.memory_space<hbm>>
        %dma_wait3A_236 = tpu.memref_squeeze %dma_wait3A_235 : memref<1x1x1x6x56xi32, #tpu.memory_space<hbm>> -> memref<6x56xi32, #tpu.memory_space<hbm>>
        %dma_wait3A_237 = arith.constant 0 : i32
        %dma_wait3A_238 = arith.constant 0 : i32
        %dma_wait3A_239 = tpu.memref_slice %arg4[%add3A_3, %arg1, %scan3A_58, %dma_wait3A_237, %dma_wait3A_238] : memref<4x16x60x6x56xi32, #tpu.memory_space<hbm>> -> memref<1x1x1x6x56xi32, #tpu.memory_space<hbm>>
        %dma_wait3A_240 = tpu.memref_squeeze %dma_wait3A_239 : memref<1x1x1x6x56xi32, #tpu.memory_space<hbm>> -> memref<6x56xi32, #tpu.memory_space<hbm>>
        tpu.wait_dma2 semaphore(%run_scoped3A : memref<!tpu.dma_semaphore, #tpu.memory_space<semaphore_mem>>) src(%dma_wait3A_240 : memref<6x56xi32, #tpu.memory_space<hbm>>) dst(%arg8 : memref<6x56xi32, #tpu.memory_space<vmem>>)
        tpu.yield
      }) : () -> ()
      %dma_start3A = arith.constant 0 : i32
      %dma_start3A_59 = arith.constant 0 : i32
      %dma_start3A_60 = tpu.memref_slice %arg7[%dma_start3A, %dma_start3A_59] : memref<6x56xi32, #tpu.memory_space<vmem>> -> memref<1x56xi32, #tpu.memory_space<vmem>>
      %dma_start3A_61 = tpu.memref_squeeze %dma_start3A_60 : memref<1x56xi32, #tpu.memory_space<vmem>> -> memref<56xi32, #tpu.memory_space<vmem>>
      %dma_start3A_62 = arith.constant 0 : i32
      %dma_start3A_63 = arith.constant 0 : i32
      %dma_start3A_64 = tpu.memref_slice %arg2[%dma_start3A_62, %dma_start3A_63] : memref<40000x128xf32, #tpu.memory_space<hbm>> -> memref<40000x128xf32, #tpu.memory_space<hbm>>
      tpu.enqueue_indirect_dma source(%dma_start3A_64 : memref<40000x128xf32, #tpu.memory_space<hbm>>) target(%arg9 : memref<56x128xf32, #tpu.memory_space<vmem>>) offsets(%dma_start3A_61 : memref<56xi32, #tpu.memory_space<vmem>>) semaphore(%arg16 : memref<!tpu.dma_semaphore, #tpu.memory_space<semaphore_mem>>)
      %dma_start3A_65 = arith.constant 1 : i32
      %dma_start3A_66 = arith.constant 0 : i32
      %dma_start3A_67 = tpu.memref_slice %arg7[%dma_start3A_65, %dma_start3A_66] : memref<6x56xi32, #tpu.memory_space<vmem>> -> memref<1x56xi32, #tpu.memory_space<vmem>>
      %dma_start3A_68 = tpu.memref_squeeze %dma_start3A_67 : memref<1x56xi32, #tpu.memory_space<vmem>> -> memref<56xi32, #tpu.memory_space<vmem>>
      %dma_start3A_69 = arith.constant 0 : i32
      %dma_start3A_70 = arith.constant 0 : i32
      %dma_start3A_71 = tpu.memref_slice %arg2[%dma_start3A_69, %dma_start3A_70] : memref<40000x128xf32, #tpu.memory_space<hbm>> -> memref<40000x128xf32, #tpu.memory_space<hbm>>
      tpu.enqueue_indirect_dma source(%dma_start3A_71 : memref<40000x128xf32, #tpu.memory_space<hbm>>) target(%arg10 : memref<56x128xf32, #tpu.memory_space<vmem>>) offsets(%dma_start3A_68 : memref<56xi32, #tpu.memory_space<vmem>>) semaphore(%arg16 : memref<!tpu.dma_semaphore, #tpu.memory_space<semaphore_mem>>)
      %dma_start3A_72 = arith.constant 2 : i32
      %dma_start3A_73 = arith.constant 0 : i32
      %dma_start3A_74 = tpu.memref_slice %arg7[%dma_start3A_72, %dma_start3A_73] : memref<6x56xi32, #tpu.memory_space<vmem>> -> memref<1x56xi32, #tpu.memory_space<vmem>>
      %dma_start3A_75 = tpu.memref_squeeze %dma_start3A_74 : memref<1x56xi32, #tpu.memory_space<vmem>> -> memref<56xi32, #tpu.memory_space<vmem>>
      %dma_start3A_76 = arith.constant 0 : i32
      %dma_start3A_77 = arith.constant 0 : i32
      %dma_start3A_78 = tpu.memref_slice %arg2[%dma_start3A_76, %dma_start3A_77] : memref<40000x128xf32, #tpu.memory_space<hbm>> -> memref<40000x128xf32, #tpu.memory_space<hbm>>
      tpu.enqueue_indirect_dma source(%dma_start3A_78 : memref<40000x128xf32, #tpu.memory_space<hbm>>) target(%arg11 : memref<56x128xf32, #tpu.memory_space<vmem>>) offsets(%dma_start3A_75 : memref<56xi32, #tpu.memory_space<vmem>>) semaphore(%arg16 : memref<!tpu.dma_semaphore, #tpu.memory_space<semaphore_mem>>)
      %dma_start3A_79 = arith.constant 3 : i32
      %dma_start3A_80 = arith.constant 0 : i32
      %dma_start3A_81 = tpu.memref_slice %arg7[%dma_start3A_79, %dma_start3A_80] : memref<6x56xi32, #tpu.memory_space<vmem>> -> memref<1x56xi32, #tpu.memory_space<vmem>>
      %dma_start3A_82 = tpu.memref_squeeze %dma_start3A_81 : memref<1x56xi32, #tpu.memory_space<vmem>> -> memref<56xi32, #tpu.memory_space<vmem>>
      %dma_start3A_83 = arith.constant 0 : i32
      %dma_start3A_84 = arith.constant 0 : i32
      %dma_start3A_85 = tpu.memref_slice %arg2[%dma_start3A_83, %dma_start3A_84] : memref<40000x128xf32, #tpu.memory_space<hbm>> -> memref<40000x128xf32, #tpu.memory_space<hbm>>
      tpu.enqueue_indirect_dma source(%dma_start3A_85 : memref<40000x128xf32, #tpu.memory_space<hbm>>) target(%arg12 : memref<56x128xf32, #tpu.memory_space<vmem>>) offsets(%dma_start3A_82 : memref<56xi32, #tpu.memory_space<vmem>>) semaphore(%arg16 : memref<!tpu.dma_semaphore, #tpu.memory_space<semaphore_mem>>)
      %dma_start3A_86 = arith.constant 4 : i32
      %dma_start3A_87 = arith.constant 0 : i32
      %dma_start3A_88 = tpu.memref_slice %arg7[%dma_start3A_86, %dma_start3A_87] : memref<6x56xi32, #tpu.memory_space<vmem>> -> memref<1x56xi32, #tpu.memory_space<vmem>>
      %dma_start3A_89 = tpu.memref_squeeze %dma_start3A_88 : memref<1x56xi32, #tpu.memory_space<vmem>> -> memref<56xi32, #tpu.memory_space<vmem>>
      %dma_start3A_90 = arith.constant 0 : i32
      %dma_start3A_91 = arith.constant 0 : i32
      %dma_start3A_92 = tpu.memref_slice %arg2[%dma_start3A_90, %dma_start3A_91] : memref<40000x128xf32, #tpu.memory_space<hbm>> -> memref<40000x128xf32, #tpu.memory_space<hbm>>
      tpu.enqueue_indirect_dma source(%dma_start3A_92 : memref<40000x128xf32, #tpu.memory_space<hbm>>) target(%arg13 : memref<56x128xf32, #tpu.memory_space<vmem>>) offsets(%dma_start3A_89 : memref<56xi32, #tpu.memory_space<vmem>>) semaphore(%arg16 : memref<!tpu.dma_semaphore, #tpu.memory_space<semaphore_mem>>)
      %dma_start3A_93 = arith.constant 5 : i32
      %dma_start3A_94 = arith.constant 0 : i32
      %dma_start3A_95 = tpu.memref_slice %arg7[%dma_start3A_93, %dma_start3A_94] : memref<6x56xi32, #tpu.memory_space<vmem>> -> memref<1x56xi32, #tpu.memory_space<vmem>>
      %dma_start3A_96 = tpu.memref_squeeze %dma_start3A_95 : memref<1x56xi32, #tpu.memory_space<vmem>> -> memref<56xi32, #tpu.memory_space<vmem>>
      %dma_start3A_97 = arith.constant 0 : i32
      %dma_start3A_98 = arith.constant 0 : i32
      %dma_start3A_99 = tpu.memref_slice %arg2[%dma_start3A_97, %dma_start3A_98] : memref<40000x128xf32, #tpu.memory_space<hbm>> -> memref<40000x128xf32, #tpu.memory_space<hbm>>
      tpu.enqueue_indirect_dma source(%dma_start3A_99 : memref<40000x128xf32, #tpu.memory_space<hbm>>) target(%arg14 : memref<56x128xf32, #tpu.memory_space<vmem>>) offsets(%dma_start3A_96 : memref<56xi32, #tpu.memory_space<vmem>>) semaphore(%arg16 : memref<!tpu.dma_semaphore, #tpu.memory_space<semaphore_mem>>)
      %dma_wait3A = arith.constant 0 : i32
      %dma_wait3A_100 = arith.constant 0 : i32
      %dma_wait3A_101 = tpu.memref_slice %arg7[%dma_wait3A, %dma_wait3A_100] : memref<6x56xi32, #tpu.memory_space<vmem>> -> memref<1x56xi32, #tpu.memory_space<vmem>>
      %dma_wait3A_102 = tpu.memref_squeeze %dma_wait3A_101 : memref<1x56xi32, #tpu.memory_space<vmem>> -> memref<56xi32, #tpu.memory_space<vmem>>
      %dma_wait3A_103 = arith.constant 0 : i32
      %dma_wait3A_104 = arith.constant 0 : i32
      %dma_wait3A_105 = tpu.memref_slice %arg2[%dma_wait3A_103, %dma_wait3A_104] : memref<40000x128xf32, #tpu.memory_space<hbm>> -> memref<40000x128xf32, #tpu.memory_space<hbm>>
      tpu.wait_indirect_dma semaphore(%arg16 : memref<!tpu.dma_semaphore, #tpu.memory_space<semaphore_mem>>) src(%dma_wait3A_105 : memref<40000x128xf32, #tpu.memory_space<hbm>>) dst(%arg9 : memref<56x128xf32, #tpu.memory_space<vmem>>)
      %dma_wait3A_106 = arith.constant 1 : i32
      %dma_wait3A_107 = arith.constant 0 : i32
      %dma_wait3A_108 = tpu.memref_slice %arg7[%dma_wait3A_106, %dma_wait3A_107] : memref<6x56xi32, #tpu.memory_space<vmem>> -> memref<1x56xi32, #tpu.memory_space<vmem>>
      %dma_wait3A_109 = tpu.memref_squeeze %dma_wait3A_108 : memref<1x56xi32, #tpu.memory_space<vmem>> -> memref<56xi32, #tpu.memory_space<vmem>>
      %dma_wait3A_110 = arith.constant 0 : i32
      %dma_wait3A_111 = arith.constant 0 : i32
      %dma_wait3A_112 = tpu.memref_slice %arg2[%dma_wait3A_110, %dma_wait3A_111] : memref<40000x128xf32, #tpu.memory_space<hbm>> -> memref<40000x128xf32, #tpu.memory_space<hbm>>
      tpu.wait_indirect_dma semaphore(%arg16 : memref<!tpu.dma_semaphore, #tpu.memory_space<semaphore_mem>>) src(%dma_wait3A_112 : memref<40000x128xf32, #tpu.memory_space<hbm>>) dst(%arg10 : memref<56x128xf32, #tpu.memory_space<vmem>>)
      %dma_wait3A_113 = arith.constant 2 : i32
      %dma_wait3A_114 = arith.constant 0 : i32
      %dma_wait3A_115 = tpu.memref_slice %arg7[%dma_wait3A_113, %dma_wait3A_114] : memref<6x56xi32, #tpu.memory_space<vmem>> -> memref<1x56xi32, #tpu.memory_space<vmem>>
      %dma_wait3A_116 = tpu.memref_squeeze %dma_wait3A_115 : memref<1x56xi32, #tpu.memory_space<vmem>> -> memref<56xi32, #tpu.memory_space<vmem>>
      %dma_wait3A_117 = arith.constant 0 : i32
      %dma_wait3A_118 = arith.constant 0 : i32
      %dma_wait3A_119 = tpu.memref_slice %arg2[%dma_wait3A_117, %dma_wait3A_118] : memref<40000x128xf32, #tpu.memory_space<hbm>> -> memref<40000x128xf32, #tpu.memory_space<hbm>>
      tpu.wait_indirect_dma semaphore(%arg16 : memref<!tpu.dma_semaphore, #tpu.memory_space<semaphore_mem>>) src(%dma_wait3A_119 : memref<40000x128xf32, #tpu.memory_space<hbm>>) dst(%arg11 : memref<56x128xf32, #tpu.memory_space<vmem>>)
      %dma_start3A_120 = arith.constant 0 : i32
      %dma_start3A_121 = arith.constant 0 : i32
      %dma_start3A_122 = tpu.memref_slice %arg8[%dma_start3A_120, %dma_start3A_121] : memref<6x56xi32, #tpu.memory_space<vmem>> -> memref<1x56xi32, #tpu.memory_space<vmem>>
      %dma_start3A_123 = tpu.memref_squeeze %dma_start3A_122 : memref<1x56xi32, #tpu.memory_space<vmem>> -> memref<56xi32, #tpu.memory_space<vmem>>
      %dma_start3A_124 = arith.constant 0 : i32
      %dma_start3A_125 = arith.constant 0 : i32
      %dma_start3A_126 = tpu.memref_slice %arg15[%dma_start3A_124, %dma_start3A_125] : memref<10008x128xf32, #tpu.memory_space<vmem_shared>> -> memref<10008x128xf32, #tpu.memory_space<vmem_shared>>
      tpu.enqueue_indirect_dma source(%arg9 : memref<56x128xf32, #tpu.memory_space<vmem>>) target(%dma_start3A_126 : memref<10008x128xf32, #tpu.memory_space<vmem_shared>>) offsets(%dma_start3A_123 : memref<56xi32, #tpu.memory_space<vmem>>) semaphore(%arg17 : memref<!tpu.dma_semaphore, #tpu.memory_space<semaphore_mem>>) {add = true}
      %dma_start3A_127 = arith.constant 1 : i32
      %dma_start3A_128 = arith.constant 0 : i32
      %dma_start3A_129 = tpu.memref_slice %arg8[%dma_start3A_127, %dma_start3A_128] : memref<6x56xi32, #tpu.memory_space<vmem>> -> memref<1x56xi32, #tpu.memory_space<vmem>>
      %dma_start3A_130 = tpu.memref_squeeze %dma_start3A_129 : memref<1x56xi32, #tpu.memory_space<vmem>> -> memref<56xi32, #tpu.memory_space<vmem>>
      %dma_start3A_131 = arith.constant 0 : i32
      %dma_start3A_132 = arith.constant 0 : i32
      %dma_start3A_133 = tpu.memref_slice %arg15[%dma_start3A_131, %dma_start3A_132] : memref<10008x128xf32, #tpu.memory_space<vmem_shared>> -> memref<10008x128xf32, #tpu.memory_space<vmem_shared>>
      tpu.enqueue_indirect_dma source(%arg10 : memref<56x128xf32, #tpu.memory_space<vmem>>) target(%dma_start3A_133 : memref<10008x128xf32, #tpu.memory_space<vmem_shared>>) offsets(%dma_start3A_130 : memref<56xi32, #tpu.memory_space<vmem>>) semaphore(%arg17 : memref<!tpu.dma_semaphore, #tpu.memory_space<semaphore_mem>>) {add = true}
      %dma_start3A_134 = arith.constant 2 : i32
      %dma_start3A_135 = arith.constant 0 : i32
      %dma_start3A_136 = tpu.memref_slice %arg8[%dma_start3A_134, %dma_start3A_135] : memref<6x56xi32, #tpu.memory_space<vmem>> -> memref<1x56xi32, #tpu.memory_space<vmem>>
      %dma_start3A_137 = tpu.memref_squeeze %dma_start3A_136 : memref<1x56xi32, #tpu.memory_space<vmem>> -> memref<56xi32, #tpu.memory_space<vmem>>
      %dma_start3A_138 = arith.constant 0 : i32
      %dma_start3A_139 = arith.constant 0 : i32
      %dma_start3A_140 = tpu.memref_slice %arg15[%dma_start3A_138, %dma_start3A_139] : memref<10008x128xf32, #tpu.memory_space<vmem_shared>> -> memref<10008x128xf32, #tpu.memory_space<vmem_shared>>
      tpu.enqueue_indirect_dma source(%arg11 : memref<56x128xf32, #tpu.memory_space<vmem>>) target(%dma_start3A_140 : memref<10008x128xf32, #tpu.memory_space<vmem_shared>>) offsets(%dma_start3A_137 : memref<56xi32, #tpu.memory_space<vmem>>) semaphore(%arg17 : memref<!tpu.dma_semaphore, #tpu.memory_space<semaphore_mem>>) {add = true}
      %dma_wait3A_141 = arith.constant 3 : i32
      %dma_wait3A_142 = arith.constant 0 : i32
      %dma_wait3A_143 = tpu.memref_slice %arg7[%dma_wait3A_141, %dma_wait3A_142] : memref<6x56xi32, #tpu.memory_space<vmem>> -> memref<1x56xi32, #tpu.memory_space<vmem>>
      %dma_wait3A_144 = tpu.memref_squeeze %dma_wait3A_143 : memref<1x56xi32, #tpu.memory_space<vmem>> -> memref<56xi32, #tpu.memory_space<vmem>>
      %dma_wait3A_145 = arith.constant 0 : i32
      %dma_wait3A_146 = arith.constant 0 : i32
      %dma_wait3A_147 = tpu.memref_slice %arg2[%dma_wait3A_145, %dma_wait3A_146] : memref<40000x128xf32, #tpu.memory_space<hbm>> -> memref<40000x128xf32, #tpu.memory_space<hbm>>
      tpu.wait_indirect_dma semaphore(%arg16 : memref<!tpu.dma_semaphore, #tpu.memory_space<semaphore_mem>>) src(%dma_wait3A_147 : memref<40000x128xf32, #tpu.memory_space<hbm>>) dst(%arg12 : memref<56x128xf32, #tpu.memory_space<vmem>>)
      %dma_wait3A_148 = arith.constant 4 : i32
      %dma_wait3A_149 = arith.constant 0 : i32
      %dma_wait3A_150 = tpu.memref_slice %arg7[%dma_wait3A_148, %dma_wait3A_149] : memref<6x56xi32, #tpu.memory_space<vmem>> -> memref<1x56xi32, #tpu.memory_space<vmem>>
      %dma_wait3A_151 = tpu.memref_squeeze %dma_wait3A_150 : memref<1x56xi32, #tpu.memory_space<vmem>> -> memref<56xi32, #tpu.memory_space<vmem>>
      %dma_wait3A_152 = arith.constant 0 : i32
      %dma_wait3A_153 = arith.constant 0 : i32
      %dma_wait3A_154 = tpu.memref_slice %arg2[%dma_wait3A_152, %dma_wait3A_153] : memref<40000x128xf32, #tpu.memory_space<hbm>> -> memref<40000x128xf32, #tpu.memory_space<hbm>>
      tpu.wait_indirect_dma semaphore(%arg16 : memref<!tpu.dma_semaphore, #tpu.memory_space<semaphore_mem>>) src(%dma_wait3A_154 : memref<40000x128xf32, #tpu.memory_space<hbm>>) dst(%arg13 : memref<56x128xf32, #tpu.memory_space<vmem>>)
      %dma_wait3A_155 = arith.constant 5 : i32
      %dma_wait3A_156 = arith.constant 0 : i32
      %dma_wait3A_157 = tpu.memref_slice %arg7[%dma_wait3A_155, %dma_wait3A_156] : memref<6x56xi32, #tpu.memory_space<vmem>> -> memref<1x56xi32, #tpu.memory_space<vmem>>
      %dma_wait3A_158 = tpu.memref_squeeze %dma_wait3A_157 : memref<1x56xi32, #tpu.memory_space<vmem>> -> memref<56xi32, #tpu.memory_space<vmem>>
      %dma_wait3A_159 = arith.constant 0 : i32
      %dma_wait3A_160 = arith.constant 0 : i32
      %dma_wait3A_161 = tpu.memref_slice %arg2[%dma_wait3A_159, %dma_wait3A_160] : memref<40000x128xf32, #tpu.memory_space<hbm>> -> memref<40000x128xf32, #tpu.memory_space<hbm>>
      tpu.wait_indirect_dma semaphore(%arg16 : memref<!tpu.dma_semaphore, #tpu.memory_space<semaphore_mem>>) src(%dma_wait3A_161 : memref<40000x128xf32, #tpu.memory_space<hbm>>) dst(%arg14 : memref<56x128xf32, #tpu.memory_space<vmem>>)
      %dma_start3A_162 = arith.constant 3 : i32
      %dma_start3A_163 = arith.constant 0 : i32
      %dma_start3A_164 = tpu.memref_slice %arg8[%dma_start3A_162, %dma_start3A_163] : memref<6x56xi32, #tpu.memory_space<vmem>> -> memref<1x56xi32, #tpu.memory_space<vmem>>
      %dma_start3A_165 = tpu.memref_squeeze %dma_start3A_164 : memref<1x56xi32, #tpu.memory_space<vmem>> -> memref<56xi32, #tpu.memory_space<vmem>>
      %dma_start3A_166 = arith.constant 0 : i32
      %dma_start3A_167 = arith.constant 0 : i32
      %dma_start3A_168 = tpu.memref_slice %arg15[%dma_start3A_166, %dma_start3A_167] : memref<10008x128xf32, #tpu.memory_space<vmem_shared>> -> memref<10008x128xf32, #tpu.memory_space<vmem_shared>>
      tpu.enqueue_indirect_dma source(%arg12 : memref<56x128xf32, #tpu.memory_space<vmem>>) target(%dma_start3A_168 : memref<10008x128xf32, #tpu.memory_space<vmem_shared>>) offsets(%dma_start3A_165 : memref<56xi32, #tpu.memory_space<vmem>>) semaphore(%arg17 : memref<!tpu.dma_semaphore, #tpu.memory_space<semaphore_mem>>) {add = true}
      %dma_start3A_169 = arith.constant 4 : i32
      %dma_start3A_170 = arith.constant 0 : i32
      %dma_start3A_171 = tpu.memref_slice %arg8[%dma_start3A_169, %dma_start3A_170] : memref<6x56xi32, #tpu.memory_space<vmem>> -> memref<1x56xi32, #tpu.memory_space<vmem>>
      %dma_start3A_172 = tpu.memref_squeeze %dma_start3A_171 : memref<1x56xi32, #tpu.memory_space<vmem>> -> memref<56xi32, #tpu.memory_space<vmem>>
      %dma_start3A_173 = arith.constant 0 : i32
      %dma_start3A_174 = arith.constant 0 : i32
      %dma_start3A_175 = tpu.memref_slice %arg15[%dma_start3A_173, %dma_start3A_174] : memref<10008x128xf32, #tpu.memory_space<vmem_shared>> -> memref<10008x128xf32, #tpu.memory_space<vmem_shared>>
      tpu.enqueue_indirect_dma source(%arg13 : memref<56x128xf32, #tpu.memory_space<vmem>>) target(%dma_start3A_175 : memref<10008x128xf32, #tpu.memory_space<vmem_shared>>) offsets(%dma_start3A_172 : memref<56xi32, #tpu.memory_space<vmem>>) semaphore(%arg17 : memref<!tpu.dma_semaphore, #tpu.memory_space<semaphore_mem>>) {add = true}
      %dma_start3A_176 = arith.constant 5 : i32
      %dma_start3A_177 = arith.constant 0 : i32
      %dma_start3A_178 = tpu.memref_slice %arg8[%dma_start3A_176, %dma_start3A_177] : memref<6x56xi32, #tpu.memory_space<vmem>> -> memref<1x56xi32, #tpu.memory_space<vmem>>
      %dma_start3A_179 = tpu.memref_squeeze %dma_start3A_178 : memref<1x56xi32, #tpu.memory_space<vmem>> -> memref<56xi32, #tpu.memory_space<vmem>>
      %dma_start3A_180 = arith.constant 0 : i32
      %dma_start3A_181 = arith.constant 0 : i32
      %dma_start3A_182 = tpu.memref_slice %arg15[%dma_start3A_180, %dma_start3A_181] : memref<10008x128xf32, #tpu.memory_space<vmem_shared>> -> memref<10008x128xf32, #tpu.memory_space<vmem_shared>>
      tpu.enqueue_indirect_dma source(%arg14 : memref<56x128xf32, #tpu.memory_space<vmem>>) target(%dma_start3A_182 : memref<10008x128xf32, #tpu.memory_space<vmem_shared>>) offsets(%dma_start3A_179 : memref<56xi32, #tpu.memory_space<vmem>>) semaphore(%arg17 : memref<!tpu.dma_semaphore, #tpu.memory_space<semaphore_mem>>) {add = true}
      %dma_wait3A_183 = arith.constant 0 : i32
      %dma_wait3A_184 = arith.constant 0 : i32
      %dma_wait3A_185 = tpu.memref_slice %arg8[%dma_wait3A_183, %dma_wait3A_184] : memref<6x56xi32, #tpu.memory_space<vmem>> -> memref<1x56xi32, #tpu.memory_space<vmem>>
      %dma_wait3A_186 = tpu.memref_squeeze %dma_wait3A_185 : memref<1x56xi32, #tpu.memory_space<vmem>> -> memref<56xi32, #tpu.memory_space<vmem>>
      %dma_wait3A_187 = arith.constant 0 : i32
      %dma_wait3A_188 = arith.constant 0 : i32
      %dma_wait3A_189 = tpu.memref_slice %arg15[%dma_wait3A_187, %dma_wait3A_188] : memref<10008x128xf32, #tpu.memory_space<vmem_shared>> -> memref<10008x128xf32, #tpu.memory_space<vmem_shared>>
      tpu.wait_indirect_dma semaphore(%arg17 : memref<!tpu.dma_semaphore, #tpu.memory_space<semaphore_mem>>) src(%arg9 : memref<56x128xf32, #tpu.memory_space<vmem>>) dst(%dma_wait3A_189 : memref<10008x128xf32, #tpu.memory_space<vmem_shared>>)
      %dma_wait3A_190 = arith.constant 1 : i32
      %dma_wait3A_191 = arith.constant 0 : i32
      %dma_wait3A_192 = tpu.memref_slice %arg8[%dma_wait3A_190, %dma_wait3A_191] : memref<6x56xi32, #tpu.memory_space<vmem>> -> memref<1x56xi32, #tpu.memory_space<vmem>>
      %dma_wait3A_193 = tpu.memref_squeeze %dma_wait3A_192 : memref<1x56xi32, #tpu.memory_space<vmem>> -> memref<56xi32, #tpu.memory_space<vmem>>
      %dma_wait3A_194 = arith.constant 0 : i32
      %dma_wait3A_195 = arith.constant 0 : i32
      %dma_wait3A_196 = tpu.memref_slice %arg15[%dma_wait3A_194, %dma_wait3A_195] : memref<10008x128xf32, #tpu.memory_space<vmem_shared>> -> memref<10008x128xf32, #tpu.memory_space<vmem_shared>>
      tpu.wait_indirect_dma semaphore(%arg17 : memref<!tpu.dma_semaphore, #tpu.memory_space<semaphore_mem>>) src(%arg10 : memref<56x128xf32, #tpu.memory_space<vmem>>) dst(%dma_wait3A_196 : memref<10008x128xf32, #tpu.memory_space<vmem_shared>>)
      %dma_wait3A_197 = arith.constant 2 : i32
      %dma_wait3A_198 = arith.constant 0 : i32
      %dma_wait3A_199 = tpu.memref_slice %arg8[%dma_wait3A_197, %dma_wait3A_198] : memref<6x56xi32, #tpu.memory_space<vmem>> -> memref<1x56xi32, #tpu.memory_space<vmem>>
      %dma_wait3A_200 = tpu.memref_squeeze %dma_wait3A_199 : memref<1x56xi32, #tpu.memory_space<vmem>> -> memref<56xi32, #tpu.memory_space<vmem>>
      %dma_wait3A_201 = arith.constant 0 : i32
      %dma_wait3A_202 = arith.constant 0 : i32
      %dma_wait3A_203 = tpu.memref_slice %arg15[%dma_wait3A_201, %dma_wait3A_202] : memref<10008x128xf32, #tpu.memory_space<vmem_shared>> -> memref<10008x128xf32, #tpu.memory_space<vmem_shared>>
      tpu.wait_indirect_dma semaphore(%arg17 : memref<!tpu.dma_semaphore, #tpu.memory_space<semaphore_mem>>) src(%arg11 : memref<56x128xf32, #tpu.memory_space<vmem>>) dst(%dma_wait3A_203 : memref<10008x128xf32, #tpu.memory_space<vmem_shared>>)
      %dma_wait3A_204 = arith.constant 3 : i32
      %dma_wait3A_205 = arith.constant 0 : i32
      %dma_wait3A_206 = tpu.memref_slice %arg8[%dma_wait3A_204, %dma_wait3A_205] : memref<6x56xi32, #tpu.memory_space<vmem>> -> memref<1x56xi32, #tpu.memory_space<vmem>>
      %dma_wait3A_207 = tpu.memref_squeeze %dma_wait3A_206 : memref<1x56xi32, #tpu.memory_space<vmem>> -> memref<56xi32, #tpu.memory_space<vmem>>
      %dma_wait3A_208 = arith.constant 0 : i32
      %dma_wait3A_209 = arith.constant 0 : i32
      %dma_wait3A_210 = tpu.memref_slice %arg15[%dma_wait3A_208, %dma_wait3A_209] : memref<10008x128xf32, #tpu.memory_space<vmem_shared>> -> memref<10008x128xf32, #tpu.memory_space<vmem_shared>>
      tpu.wait_indirect_dma semaphore(%arg17 : memref<!tpu.dma_semaphore, #tpu.memory_space<semaphore_mem>>) src(%arg12 : memref<56x128xf32, #tpu.memory_space<vmem>>) dst(%dma_wait3A_210 : memref<10008x128xf32, #tpu.memory_space<vmem_shared>>)
      %dma_wait3A_211 = arith.constant 4 : i32
      %dma_wait3A_212 = arith.constant 0 : i32
      %dma_wait3A_213 = tpu.memref_slice %arg8[%dma_wait3A_211, %dma_wait3A_212] : memref<6x56xi32, #tpu.memory_space<vmem>> -> memref<1x56xi32, #tpu.memory_space<vmem>>
      %dma_wait3A_214 = tpu.memref_squeeze %dma_wait3A_213 : memref<1x56xi32, #tpu.memory_space<vmem>> -> memref<56xi32, #tpu.memory_space<vmem>>
      %dma_wait3A_215 = arith.constant 0 : i32
      %dma_wait3A_216 = arith.constant 0 : i32
      %dma_wait3A_217 = tpu.memref_slice %arg15[%dma_wait3A_215, %dma_wait3A_216] : memref<10008x128xf32, #tpu.memory_space<vmem_shared>> -> memref<10008x128xf32, #tpu.memory_space<vmem_shared>>
      tpu.wait_indirect_dma semaphore(%arg17 : memref<!tpu.dma_semaphore, #tpu.memory_space<semaphore_mem>>) src(%arg13 : memref<56x128xf32, #tpu.memory_space<vmem>>) dst(%dma_wait3A_217 : memref<10008x128xf32, #tpu.memory_space<vmem_shared>>)
      %dma_wait3A_218 = arith.constant 5 : i32
      %dma_wait3A_219 = arith.constant 0 : i32
      %dma_wait3A_220 = tpu.memref_slice %arg8[%dma_wait3A_218, %dma_wait3A_219] : memref<6x56xi32, #tpu.memory_space<vmem>> -> memref<1x56xi32, #tpu.memory_space<vmem>>
      %dma_wait3A_221 = tpu.memref_squeeze %dma_wait3A_220 : memref<1x56xi32, #tpu.memory_space<vmem>> -> memref<56xi32, #tpu.memory_space<vmem>>
      %dma_wait3A_222 = arith.constant 0 : i32
      %dma_wait3A_223 = arith.constant 0 : i32
      %dma_wait3A_224 = tpu.memref_slice %arg15[%dma_wait3A_222, %dma_wait3A_223] : memref<10008x128xf32, #tpu.memory_space<vmem_shared>> -> memref<10008x128xf32, #tpu.memory_space<vmem_shared>>
      tpu.wait_indirect_dma semaphore(%arg17 : memref<!tpu.dma_semaphore, #tpu.memory_space<semaphore_mem>>) src(%arg14 : memref<56x128xf32, #tpu.memory_space<vmem>>) dst(%dma_wait3A_224 : memref<10008x128xf32, #tpu.memory_space<vmem_shared>>)
    }
    %scan3A_14 = arith.constant 60 : i32
    %barrier3A_15 = arith.constant 0 : index
    tpu.barrier barrier_id(%barrier3A_15)
    %lt3A_16 = arith.constant 15 : i32
    %lt3A_17 = arith.cmpi slt, %arg1, %lt3A_16 : i32
    %convert_element_type3A_18 = arith.extui %lt3A_17 : i1 to i32
    %cond3A_19 = arith.constant 0 : i32
    %cond3A_20 = arith.cmpi ne, %convert_element_type3A_18, %cond3A_19 : i32
    scf.if %cond3A_20 {
      "tpu.region"() ({
        %run_scoped3A = tpu.sem_alloc : memref<!tpu.dma_semaphore, #tpu.memory_space<semaphore_mem>>
        %dma_start3A = arith.constant 0 : i32
        %dma_start3A_58 = tpu.memref_slice %arg6[%add3A_3, %mul3A_0, %dma_start3A] : memref<4x10000x128xf32, #tpu.memory_space<hbm>> -> memref<1x632x128xf32, #tpu.memory_space<hbm>>
        %dma_start3A_59 = tpu.memref_squeeze %dma_start3A_58 : memref<1x632x128xf32, #tpu.memory_space<hbm>> -> memref<632x128xf32, #tpu.memory_space<hbm>>
        %dma_start3A_60 = arith.constant 0 : i32
        %dma_start3A_61 = tpu.memref_slice %arg15[%mul3A_0, %dma_start3A_60] : memref<10008x128xf32, #tpu.memory_space<vmem_shared>> -> memref<632x128xf32, #tpu.memory_space<vmem_shared>>
        tpu.enqueue_dma source(%dma_start3A_61 : memref<632x128xf32, #tpu.memory_space<vmem_shared>>) target(%dma_start3A_59 : memref<632x128xf32, #tpu.memory_space<hbm>>) target_semaphore(%run_scoped3A : memref<!tpu.dma_semaphore, #tpu.memory_space<semaphore_mem>>)
        %dma_wait3A = arith.constant 0 : i32
        %dma_wait3A_62 = tpu.memref_slice %arg6[%add3A_3, %mul3A_0, %dma_wait3A] : memref<4x10000x128xf32, #tpu.memory_space<hbm>> -> memref<1x632x128xf32, #tpu.memory_space<hbm>>
        %dma_wait3A_63 = tpu.memref_squeeze %dma_wait3A_62 : memref<1x632x128xf32, #tpu.memory_space<hbm>> -> memref<632x128xf32, #tpu.memory_space<hbm>>
        %dma_wait3A_64 = arith.constant 0 : i32
        %dma_wait3A_65 = tpu.memref_slice %arg15[%mul3A_0, %dma_wait3A_64] : memref<10008x128xf32, #tpu.memory_space<vmem_shared>> -> memref<632x128xf32, #tpu.memory_space<vmem_shared>>
        tpu.wait_dma2 semaphore(%run_scoped3A : memref<!tpu.dma_semaphore, #tpu.memory_space<semaphore_mem>>) src(%dma_wait3A_65 : memref<632x128xf32, #tpu.memory_space<vmem_shared>>) dst(%dma_wait3A_63 : memref<632x128xf32, #tpu.memory_space<hbm>>)
        tpu.yield
      }) : () -> ()
    } else {
    }
    %eq3A_21 = arith.constant 15 : i32
    %eq3A_22 = arith.cmpi eq, %arg1, %eq3A_21 : i32
    %convert_element_type3A_23 = arith.extui %eq3A_22 : i1 to i32
    %cond3A_24 = arith.constant 0 : i32
    %cond3A_25 = arith.cmpi ne, %convert_element_type3A_23, %cond3A_24 : i32
    scf.if %cond3A_25 {
      "tpu.region"() ({
        %run_scoped3A = tpu.sem_alloc : memref<!tpu.dma_semaphore, #tpu.memory_space<semaphore_mem>>
        %dma_start3A = arith.constant 0 : i32
        %dma_start3A_58 = tpu.memref_slice %arg6[%add3A_3, %mul3A_0, %dma_start3A] : memref<4x10000x128xf32, #tpu.memory_space<hbm>> -> memref<1x520x128xf32, #tpu.memory_space<hbm>>
        %dma_start3A_59 = tpu.memref_squeeze %dma_start3A_58 : memref<1x520x128xf32, #tpu.memory_space<hbm>> -> memref<520x128xf32, #tpu.memory_space<hbm>>
        %dma_start3A_60 = arith.constant 0 : i32
        %dma_start3A_61 = tpu.memref_slice %arg15[%mul3A_0, %dma_start3A_60] : memref<10008x128xf32, #tpu.memory_space<vmem_shared>> -> memref<520x128xf32, #tpu.memory_space<vmem_shared>>
        tpu.enqueue_dma source(%dma_start3A_61 : memref<520x128xf32, #tpu.memory_space<vmem_shared>>) target(%dma_start3A_59 : memref<520x128xf32, #tpu.memory_space<hbm>>) target_semaphore(%run_scoped3A : memref<!tpu.dma_semaphore, #tpu.memory_space<semaphore_mem>>)
        %dma_wait3A = arith.constant 0 : i32
        %dma_wait3A_62 = tpu.memref_slice %arg6[%add3A_3, %mul3A_0, %dma_wait3A] : memref<4x10000x128xf32, #tpu.memory_space<hbm>> -> memref<1x520x128xf32, #tpu.memory_space<hbm>>
        %dma_wait3A_63 = tpu.memref_squeeze %dma_wait3A_62 : memref<1x520x128xf32, #tpu.memory_space<hbm>> -> memref<520x128xf32, #tpu.memory_space<hbm>>
        %dma_wait3A_64 = arith.constant 0 : i32
        %dma_wait3A_65 = tpu.memref_slice %arg15[%mul3A_0, %dma_wait3A_64] : memref<10008x128xf32, #tpu.memory_space<vmem_shared>> -> memref<520x128xf32, #tpu.memory_space<vmem_shared>>
        tpu.wait_dma2 semaphore(%run_scoped3A : memref<!tpu.dma_semaphore, #tpu.memory_space<semaphore_mem>>) src(%dma_wait3A_65 : memref<520x128xf32, #tpu.memory_space<vmem_shared>>) dst(%dma_wait3A_63 : memref<520x128xf32, #tpu.memory_space<hbm>>)
        tpu.yield
      }) : () -> ()
    } else {
    }
    %mul3A_26 = arith.constant 2 : i32
    %mul3A_27 = arith.muli %arg0, %mul3A_26 : i32
    %add3A_28 = arith.constant 1 : i32
    %add3A_29 = arith.addi %mul3A_27, %add3A_28 : i32
    %lt3A_30 = arith.constant 15 : i32
    %lt3A_31 = arith.cmpi slt, %arg1, %lt3A_30 : i32
    %convert_element_type3A_32 = arith.extui %lt3A_31 : i1 to i32
    %cond3A_33 = arith.constant 0 : i32
    %cond3A_34 = arith.cmpi ne, %convert_element_type3A_32, %cond3A_33 : i32
    scf.if %cond3A_34 {
      "tpu.region"() ({
        %run_scoped3A = tpu.sem_alloc : memref<!tpu.dma_semaphore, #tpu.memory_space<semaphore_mem>>
        %dma_start3A = arith.constant 0 : i32
        %dma_start3A_58 = tpu.memref_slice %arg15[%mul3A_0, %dma_start3A] : memref<10008x128xf32, #tpu.memory_space<vmem_shared>> -> memref<632x128xf32, #tpu.memory_space<vmem_shared>>
        tpu.enqueue_dma source(%arg5 : memref<632x128xf32, #tpu.memory_space<hbm>>) target(%dma_start3A_58 : memref<632x128xf32, #tpu.memory_space<vmem_shared>>) target_semaphore(%run_scoped3A : memref<!tpu.dma_semaphore, #tpu.memory_space<semaphore_mem>>)
        %dma_wait3A = arith.constant 0 : i32
        %dma_wait3A_59 = tpu.memref_slice %arg15[%mul3A_0, %dma_wait3A] : memref<10008x128xf32, #tpu.memory_space<vmem_shared>> -> memref<632x128xf32, #tpu.memory_space<vmem_shared>>
        tpu.wait_dma2 semaphore(%run_scoped3A : memref<!tpu.dma_semaphore, #tpu.memory_space<semaphore_mem>>) src(%arg5 : memref<632x128xf32, #tpu.memory_space<hbm>>) dst(%dma_wait3A_59 : memref<632x128xf32, #tpu.memory_space<vmem_shared>>)
        tpu.yield
      }) : () -> ()
    } else {
    }
    %eq3A_35 = arith.constant 15 : i32
    %eq3A_36 = arith.cmpi eq, %arg1, %eq3A_35 : i32
    %convert_element_type3A_37 = arith.extui %eq3A_36 : i1 to i32
    %cond3A_38 = arith.constant 0 : i32
    %cond3A_39 = arith.cmpi ne, %convert_element_type3A_37, %cond3A_38 : i32
    scf.if %cond3A_39 {
      "tpu.region"() ({
        %run_scoped3A = tpu.sem_alloc : memref<!tpu.dma_semaphore, #tpu.memory_space<semaphore_mem>>
        %dma_start3A = arith.constant 0 : i32
        %dma_start3A_58 = tpu.memref_slice %arg15[%mul3A_0, %dma_start3A] : memref<10008x128xf32, #tpu.memory_space<vmem_shared>> -> memref<520x128xf32, #tpu.memory_space<vmem_shared>>
        %dma_start3A_59 = arith.constant 0 : i32
        %dma_start3A_60 = arith.constant 0 : i32
        %dma_start3A_61 = tpu.memref_slice %arg5[%dma_start3A_59, %dma_start3A_60] : memref<632x128xf32, #tpu.memory_space<hbm>> -> memref<520x128xf32, #tpu.memory_space<hbm>>
        tpu.enqueue_dma source(%dma_start3A_61 : memref<520x128xf32, #tpu.memory_space<hbm>>) target(%dma_start3A_58 : memref<520x128xf32, #tpu.memory_space<vmem_shared>>) target_semaphore(%run_scoped3A : memref<!tpu.dma_semaphore, #tpu.memory_space<semaphore_mem>>)
        %dma_wait3A = arith.constant 0 : i32
        %dma_wait3A_62 = tpu.memref_slice %arg15[%mul3A_0, %dma_wait3A] : memref<10008x128xf32, #tpu.memory_space<vmem_shared>> -> memref<520x128xf32, #tpu.memory_space<vmem_shared>>
        %dma_wait3A_63 = arith.constant 0 : i32
        %dma_wait3A_64 = arith.constant 0 : i32
        %dma_wait3A_65 = tpu.memref_slice %arg5[%dma_wait3A_63, %dma_wait3A_64] : memref<632x128xf32, #tpu.memory_space<hbm>> -> memref<520x128xf32, #tpu.memory_space<hbm>>
        tpu.wait_dma2 semaphore(%run_scoped3A : memref<!tpu.dma_semaphore, #tpu.memory_space<semaphore_mem>>) src(%dma_wait3A_65 : memref<520x128xf32, #tpu.memory_space<hbm>>) dst(%dma_wait3A_62 : memref<520x128xf32, #tpu.memory_space<vmem_shared>>)
        tpu.yield
      }) : () -> ()
    } else {
    }
    %barrier3A_40 = arith.constant 0 : index
    tpu.barrier barrier_id(%barrier3A_40)
    %scan3A_41 = arith.constant 0 : i32
    %scan3A_42 = arith.constant 0 : i32
    %scan3A_43 = arith.constant 60 : i32
    %scan3A_44 = arith.addi %scan3A_42, %scan3A_43 : i32
    %scan3A_45 = arith.constant 1 : i32
    scf.for %scan3A_58 = %scan3A_42 to %scan3A_44 step %scan3A_45  : i32 {
      "tpu.region"() ({
        %run_scoped3A = tpu.sem_alloc : memref<!tpu.dma_semaphore, #tpu.memory_space<semaphore_mem>>
        %dma_start3A_225 = arith.constant 0 : i32
        %dma_start3A_226 = arith.constant 0 : i32
        %dma_start3A_227 = tpu.memref_slice %arg3[%add3A_29, %arg1, %scan3A_58, %dma_start3A_225, %dma_start3A_226] : memref<4x16x60x6x56xi32, #tpu.memory_space<hbm>> -> memref<1x1x1x6x56xi32, #tpu.memory_space<hbm>>
        %dma_start3A_228 = tpu.memref_squeeze %dma_start3A_227 : memref<1x1x1x6x56xi32, #tpu.memory_space<hbm>> -> memref<6x56xi32, #tpu.memory_space<hbm>>
        %dma_start3A_229 = arith.constant 0 : i32
        %dma_start3A_230 = arith.constant 0 : i32
        %dma_start3A_231 = tpu.memref_slice %arg3[%add3A_29, %arg1, %scan3A_58, %dma_start3A_229, %dma_start3A_230] : memref<4x16x60x6x56xi32, #tpu.memory_space<hbm>> -> memref<1x1x1x6x56xi32, #tpu.memory_space<hbm>>
        %dma_start3A_232 = tpu.memref_squeeze %dma_start3A_231 : memref<1x1x1x6x56xi32, #tpu.memory_space<hbm>> -> memref<6x56xi32, #tpu.memory_space<hbm>>
        tpu.enqueue_dma source(%dma_start3A_232 : memref<6x56xi32, #tpu.memory_space<hbm>>) target(%arg7 : memref<6x56xi32, #tpu.memory_space<vmem>>) target_semaphore(%run_scoped3A : memref<!tpu.dma_semaphore, #tpu.memory_space<semaphore_mem>>)
        %dma_wait3A_233 = arith.constant 0 : i32
        %dma_wait3A_234 = arith.constant 0 : i32
        %dma_wait3A_235 = tpu.memref_slice %arg3[%add3A_29, %arg1, %scan3A_58, %dma_wait3A_233, %dma_wait3A_234] : memref<4x16x60x6x56xi32, #tpu.memory_space<hbm>> -> memref<1x1x1x6x56xi32, #tpu.memory_space<hbm>>
        %dma_wait3A_236 = tpu.memref_squeeze %dma_wait3A_235 : memref<1x1x1x6x56xi32, #tpu.memory_space<hbm>> -> memref<6x56xi32, #tpu.memory_space<hbm>>
        %dma_wait3A_237 = arith.constant 0 : i32
        %dma_wait3A_238 = arith.constant 0 : i32
        %dma_wait3A_239 = tpu.memref_slice %arg3[%add3A_29, %arg1, %scan3A_58, %dma_wait3A_237, %dma_wait3A_238] : memref<4x16x60x6x56xi32, #tpu.memory_space<hbm>> -> memref<1x1x1x6x56xi32, #tpu.memory_space<hbm>>
        %dma_wait3A_240 = tpu.memref_squeeze %dma_wait3A_239 : memref<1x1x1x6x56xi32, #tpu.memory_space<hbm>> -> memref<6x56xi32, #tpu.memory_space<hbm>>
        tpu.wait_dma2 semaphore(%run_scoped3A : memref<!tpu.dma_semaphore, #tpu.memory_space<semaphore_mem>>) src(%dma_wait3A_240 : memref<6x56xi32, #tpu.memory_space<hbm>>) dst(%arg7 : memref<6x56xi32, #tpu.memory_space<vmem>>)
        tpu.yield
      }) : () -> ()
      "tpu.region"() ({
        %run_scoped3A = tpu.sem_alloc : memref<!tpu.dma_semaphore, #tpu.memory_space<semaphore_mem>>
        %dma_start3A_225 = arith.constant 0 : i32
        %dma_start3A_226 = arith.constant 0 : i32
        %dma_start3A_227 = tpu.memref_slice %arg4[%add3A_29, %arg1, %scan3A_58, %dma_start3A_225, %dma_start3A_226] : memref<4x16x60x6x56xi32, #tpu.memory_space<hbm>> -> memref<1x1x1x6x56xi32, #tpu.memory_space<hbm>>
        %dma_start3A_228 = tpu.memref_squeeze %dma_start3A_227 : memref<1x1x1x6x56xi32, #tpu.memory_space<hbm>> -> memref<6x56xi32, #tpu.memory_space<hbm>>
        %dma_start3A_229 = arith.constant 0 : i32
        %dma_start3A_230 = arith.constant 0 : i32
        %dma_start3A_231 = tpu.memref_slice %arg4[%add3A_29, %arg1, %scan3A_58, %dma_start3A_229, %dma_start3A_230] : memref<4x16x60x6x56xi32, #tpu.memory_space<hbm>> -> memref<1x1x1x6x56xi32, #tpu.memory_space<hbm>>
        %dma_start3A_232 = tpu.memref_squeeze %dma_start3A_231 : memref<1x1x1x6x56xi32, #tpu.memory_space<hbm>> -> memref<6x56xi32, #tpu.memory_space<hbm>>
        tpu.enqueue_dma source(%dma_start3A_232 : memref<6x56xi32, #tpu.memory_space<hbm>>) target(%arg8 : memref<6x56xi32, #tpu.memory_space<vmem>>) target_semaphore(%run_scoped3A : memref<!tpu.dma_semaphore, #tpu.memory_space<semaphore_mem>>)
        %dma_wait3A_233 = arith.constant 0 : i32
        %dma_wait3A_234 = arith.constant 0 : i32
        %dma_wait3A_235 = tpu.memref_slice %arg4[%add3A_29, %arg1, %scan3A_58, %dma_wait3A_233, %dma_wait3A_234] : memref<4x16x60x6x56xi32, #tpu.memory_space<hbm>> -> memref<1x1x1x6x56xi32, #tpu.memory_space<hbm>>
        %dma_wait3A_236 = tpu.memref_squeeze %dma_wait3A_235 : memref<1x1x1x6x56xi32, #tpu.memory_space<hbm>> -> memref<6x56xi32, #tpu.memory_space<hbm>>
        %dma_wait3A_237 = arith.constant 0 : i32
        %dma_wait3A_238 = arith.constant 0 : i32
        %dma_wait3A_239 = tpu.memref_slice %arg4[%add3A_29, %arg1, %scan3A_58, %dma_wait3A_237, %dma_wait3A_238] : memref<4x16x60x6x56xi32, #tpu.memory_space<hbm>> -> memref<1x1x1x6x56xi32, #tpu.memory_space<hbm>>
        %dma_wait3A_240 = tpu.memref_squeeze %dma_wait3A_239 : memref<1x1x1x6x56xi32, #tpu.memory_space<hbm>> -> memref<6x56xi32, #tpu.memory_space<hbm>>
        tpu.wait_dma2 semaphore(%run_scoped3A : memref<!tpu.dma_semaphore, #tpu.memory_space<semaphore_mem>>) src(%dma_wait3A_240 : memref<6x56xi32, #tpu.memory_space<hbm>>) dst(%arg8 : memref<6x56xi32, #tpu.memory_space<vmem>>)
        tpu.yield
      }) : () -> ()
      %dma_start3A = arith.constant 0 : i32
      %dma_start3A_59 = arith.constant 0 : i32
      %dma_start3A_60 = tpu.memref_slice %arg7[%dma_start3A, %dma_start3A_59] : memref<6x56xi32, #tpu.memory_space<vmem>> -> memref<1x56xi32, #tpu.memory_space<vmem>>
      %dma_start3A_61 = tpu.memref_squeeze %dma_start3A_60 : memref<1x56xi32, #tpu.memory_space<vmem>> -> memref<56xi32, #tpu.memory_space<vmem>>
      %dma_start3A_62 = arith.constant 0 : i32
      %dma_start3A_63 = arith.constant 0 : i32
      %dma_start3A_64 = tpu.memref_slice %arg2[%dma_start3A_62, %dma_start3A_63] : memref<40000x128xf32, #tpu.memory_space<hbm>> -> memref<40000x128xf32, #tpu.memory_space<hbm>>
      tpu.enqueue_indirect_dma source(%dma_start3A_64 : memref<40000x128xf32, #tpu.memory_space<hbm>>) target(%arg9 : memref<56x128xf32, #tpu.memory_space<vmem>>) offsets(%dma_start3A_61 : memref<56xi32, #tpu.memory_space<vmem>>) semaphore(%arg16 : memref<!tpu.dma_semaphore, #tpu.memory_space<semaphore_mem>>)
      %dma_start3A_65 = arith.constant 1 : i32
      %dma_start3A_66 = arith.constant 0 : i32
      %dma_start3A_67 = tpu.memref_slice %arg7[%dma_start3A_65, %dma_start3A_66] : memref<6x56xi32, #tpu.memory_space<vmem>> -> memref<1x56xi32, #tpu.memory_space<vmem>>
      %dma_start3A_68 = tpu.memref_squeeze %dma_start3A_67 : memref<1x56xi32, #tpu.memory_space<vmem>> -> memref<56xi32, #tpu.memory_space<vmem>>
      %dma_start3A_69 = arith.constant 0 : i32
      %dma_start3A_70 = arith.constant 0 : i32
      %dma_start3A_71 = tpu.memref_slice %arg2[%dma_start3A_69, %dma_start3A_70] : memref<40000x128xf32, #tpu.memory_space<hbm>> -> memref<40000x128xf32, #tpu.memory_space<hbm>>
      tpu.enqueue_indirect_dma source(%dma_start3A_71 : memref<40000x128xf32, #tpu.memory_space<hbm>>) target(%arg10 : memref<56x128xf32, #tpu.memory_space<vmem>>) offsets(%dma_start3A_68 : memref<56xi32, #tpu.memory_space<vmem>>) semaphore(%arg16 : memref<!tpu.dma_semaphore, #tpu.memory_space<semaphore_mem>>)
      %dma_start3A_72 = arith.constant 2 : i32
      %dma_start3A_73 = arith.constant 0 : i32
      %dma_start3A_74 = tpu.memref_slice %arg7[%dma_start3A_72, %dma_start3A_73] : memref<6x56xi32, #tpu.memory_space<vmem>> -> memref<1x56xi32, #tpu.memory_space<vmem>>
      %dma_start3A_75 = tpu.memref_squeeze %dma_start3A_74 : memref<1x56xi32, #tpu.memory_space<vmem>> -> memref<56xi32, #tpu.memory_space<vmem>>
      %dma_start3A_76 = arith.constant 0 : i32
      %dma_start3A_77 = arith.constant 0 : i32
      %dma_start3A_78 = tpu.memref_slice %arg2[%dma_start3A_76, %dma_start3A_77] : memref<40000x128xf32, #tpu.memory_space<hbm>> -> memref<40000x128xf32, #tpu.memory_space<hbm>>
      tpu.enqueue_indirect_dma source(%dma_start3A_78 : memref<40000x128xf32, #tpu.memory_space<hbm>>) target(%arg11 : memref<56x128xf32, #tpu.memory_space<vmem>>) offsets(%dma_start3A_75 : memref<56xi32, #tpu.memory_space<vmem>>) semaphore(%arg16 : memref<!tpu.dma_semaphore, #tpu.memory_space<semaphore_mem>>)
      %dma_start3A_79 = arith.constant 3 : i32
      %dma_start3A_80 = arith.constant 0 : i32
      %dma_start3A_81 = tpu.memref_slice %arg7[%dma_start3A_79, %dma_start3A_80] : memref<6x56xi32, #tpu.memory_space<vmem>> -> memref<1x56xi32, #tpu.memory_space<vmem>>
      %dma_start3A_82 = tpu.memref_squeeze %dma_start3A_81 : memref<1x56xi32, #tpu.memory_space<vmem>> -> memref<56xi32, #tpu.memory_space<vmem>>
      %dma_start3A_83 = arith.constant 0 : i32
      %dma_start3A_84 = arith.constant 0 : i32
      %dma_start3A_85 = tpu.memref_slice %arg2[%dma_start3A_83, %dma_start3A_84] : memref<40000x128xf32, #tpu.memory_space<hbm>> -> memref<40000x128xf32, #tpu.memory_space<hbm>>
      tpu.enqueue_indirect_dma source(%dma_start3A_85 : memref<40000x128xf32, #tpu.memory_space<hbm>>) target(%arg12 : memref<56x128xf32, #tpu.memory_space<vmem>>) offsets(%dma_start3A_82 : memref<56xi32, #tpu.memory_space<vmem>>) semaphore(%arg16 : memref<!tpu.dma_semaphore, #tpu.memory_space<semaphore_mem>>)
      %dma_start3A_86 = arith.constant 4 : i32
      %dma_start3A_87 = arith.constant 0 : i32
      %dma_start3A_88 = tpu.memref_slice %arg7[%dma_start3A_86, %dma_start3A_87] : memref<6x56xi32, #tpu.memory_space<vmem>> -> memref<1x56xi32, #tpu.memory_space<vmem>>
      %dma_start3A_89 = tpu.memref_squeeze %dma_start3A_88 : memref<1x56xi32, #tpu.memory_space<vmem>> -> memref<56xi32, #tpu.memory_space<vmem>>
      %dma_start3A_90 = arith.constant 0 : i32
      %dma_start3A_91 = arith.constant 0 : i32
      %dma_start3A_92 = tpu.memref_slice %arg2[%dma_start3A_90, %dma_start3A_91] : memref<40000x128xf32, #tpu.memory_space<hbm>> -> memref<40000x128xf32, #tpu.memory_space<hbm>>
      tpu.enqueue_indirect_dma source(%dma_start3A_92 : memref<40000x128xf32, #tpu.memory_space<hbm>>) target(%arg13 : memref<56x128xf32, #tpu.memory_space<vmem>>) offsets(%dma_start3A_89 : memref<56xi32, #tpu.memory_space<vmem>>) semaphore(%arg16 : memref<!tpu.dma_semaphore, #tpu.memory_space<semaphore_mem>>)
      %dma_start3A_93 = arith.constant 5 : i32
      %dma_start3A_94 = arith.constant 0 : i32
      %dma_start3A_95 = tpu.memref_slice %arg7[%dma_start3A_93, %dma_start3A_94] : memref<6x56xi32, #tpu.memory_space<vmem>> -> memref<1x56xi32, #tpu.memory_space<vmem>>
      %dma_start3A_96 = tpu.memref_squeeze %dma_start3A_95 : memref<1x56xi32, #tpu.memory_space<vmem>> -> memref<56xi32, #tpu.memory_space<vmem>>
      %dma_start3A_97 = arith.constant 0 : i32
      %dma_start3A_98 = arith.constant 0 : i32
      %dma_start3A_99 = tpu.memref_slice %arg2[%dma_start3A_97, %dma_start3A_98] : memref<40000x128xf32, #tpu.memory_space<hbm>> -> memref<40000x128xf32, #tpu.memory_space<hbm>>
      tpu.enqueue_indirect_dma source(%dma_start3A_99 : memref<40000x128xf32, #tpu.memory_space<hbm>>) target(%arg14 : memref<56x128xf32, #tpu.memory_space<vmem>>) offsets(%dma_start3A_96 : memref<56xi32, #tpu.memory_space<vmem>>) semaphore(%arg16 : memref<!tpu.dma_semaphore, #tpu.memory_space<semaphore_mem>>)
      %dma_wait3A = arith.constant 0 : i32
      %dma_wait3A_100 = arith.constant 0 : i32
      %dma_wait3A_101 = tpu.memref_slice %arg7[%dma_wait3A, %dma_wait3A_100] : memref<6x56xi32, #tpu.memory_space<vmem>> -> memref<1x56xi32, #tpu.memory_space<vmem>>
      %dma_wait3A_102 = tpu.memref_squeeze %dma_wait3A_101 : memref<1x56xi32, #tpu.memory_space<vmem>> -> memref<56xi32, #tpu.memory_space<vmem>>
      %dma_wait3A_103 = arith.constant 0 : i32
      %dma_wait3A_104 = arith.constant 0 : i32
      %dma_wait3A_105 = tpu.memref_slice %arg2[%dma_wait3A_103, %dma_wait3A_104] : memref<40000x128xf32, #tpu.memory_space<hbm>> -> memref<40000x128xf32, #tpu.memory_space<hbm>>
      tpu.wait_indirect_dma semaphore(%arg16 : memref<!tpu.dma_semaphore, #tpu.memory_space<semaphore_mem>>) src(%dma_wait3A_105 : memref<40000x128xf32, #tpu.memory_space<hbm>>) dst(%arg9 : memref<56x128xf32, #tpu.memory_space<vmem>>)
      %dma_wait3A_106 = arith.constant 1 : i32
      %dma_wait3A_107 = arith.constant 0 : i32
      %dma_wait3A_108 = tpu.memref_slice %arg7[%dma_wait3A_106, %dma_wait3A_107] : memref<6x56xi32, #tpu.memory_space<vmem>> -> memref<1x56xi32, #tpu.memory_space<vmem>>
      %dma_wait3A_109 = tpu.memref_squeeze %dma_wait3A_108 : memref<1x56xi32, #tpu.memory_space<vmem>> -> memref<56xi32, #tpu.memory_space<vmem>>
      %dma_wait3A_110 = arith.constant 0 : i32
      %dma_wait3A_111 = arith.constant 0 : i32
      %dma_wait3A_112 = tpu.memref_slice %arg2[%dma_wait3A_110, %dma_wait3A_111] : memref<40000x128xf32, #tpu.memory_space<hbm>> -> memref<40000x128xf32, #tpu.memory_space<hbm>>
      tpu.wait_indirect_dma semaphore(%arg16 : memref<!tpu.dma_semaphore, #tpu.memory_space<semaphore_mem>>) src(%dma_wait3A_112 : memref<40000x128xf32, #tpu.memory_space<hbm>>) dst(%arg10 : memref<56x128xf32, #tpu.memory_space<vmem>>)
      %dma_wait3A_113 = arith.constant 2 : i32
      %dma_wait3A_114 = arith.constant 0 : i32
      %dma_wait3A_115 = tpu.memref_slice %arg7[%dma_wait3A_113, %dma_wait3A_114] : memref<6x56xi32, #tpu.memory_space<vmem>> -> memref<1x56xi32, #tpu.memory_space<vmem>>
      %dma_wait3A_116 = tpu.memref_squeeze %dma_wait3A_115 : memref<1x56xi32, #tpu.memory_space<vmem>> -> memref<56xi32, #tpu.memory_space<vmem>>
      %dma_wait3A_117 = arith.constant 0 : i32
      %dma_wait3A_118 = arith.constant 0 : i32
      %dma_wait3A_119 = tpu.memref_slice %arg2[%dma_wait3A_117, %dma_wait3A_118] : memref<40000x128xf32, #tpu.memory_space<hbm>> -> memref<40000x128xf32, #tpu.memory_space<hbm>>
      tpu.wait_indirect_dma semaphore(%arg16 : memref<!tpu.dma_semaphore, #tpu.memory_space<semaphore_mem>>) src(%dma_wait3A_119 : memref<40000x128xf32, #tpu.memory_space<hbm>>) dst(%arg11 : memref<56x128xf32, #tpu.memory_space<vmem>>)
      %dma_start3A_120 = arith.constant 0 : i32
      %dma_start3A_121 = arith.constant 0 : i32
      %dma_start3A_122 = tpu.memref_slice %arg8[%dma_start3A_120, %dma_start3A_121] : memref<6x56xi32, #tpu.memory_space<vmem>> -> memref<1x56xi32, #tpu.memory_space<vmem>>
      %dma_start3A_123 = tpu.memref_squeeze %dma_start3A_122 : memref<1x56xi32, #tpu.memory_space<vmem>> -> memref<56xi32, #tpu.memory_space<vmem>>
      %dma_start3A_124 = arith.constant 0 : i32
      %dma_start3A_125 = arith.constant 0 : i32
      %dma_start3A_126 = tpu.memref_slice %arg15[%dma_start3A_124, %dma_start3A_125] : memref<10008x128xf32, #tpu.memory_space<vmem_shared>> -> memref<10008x128xf32, #tpu.memory_space<vmem_shared>>
      tpu.enqueue_indirect_dma source(%arg9 : memref<56x128xf32, #tpu.memory_space<vmem>>) target(%dma_start3A_126 : memref<10008x128xf32, #tpu.memory_space<vmem_shared>>) offsets(%dma_start3A_123 : memref<56xi32, #tpu.memory_space<vmem>>) semaphore(%arg17 : memref<!tpu.dma_semaphore, #tpu.memory_space<semaphore_mem>>) {add = true}
      %dma_start3A_127 = arith.constant 1 : i32
      %dma_start3A_128 = arith.constant 0 : i32
      %dma_start3A_129 = tpu.memref_slice %arg8[%dma_start3A_127, %dma_start3A_128] : memref<6x56xi32, #tpu.memory_space<vmem>> -> memref<1x56xi32, #tpu.memory_space<vmem>>
      %dma_start3A_130 = tpu.memref_squeeze %dma_start3A_129 : memref<1x56xi32, #tpu.memory_space<vmem>> -> memref<56xi32, #tpu.memory_space<vmem>>
      %dma_start3A_131 = arith.constant 0 : i32
      %dma_start3A_132 = arith.constant 0 : i32
      %dma_start3A_133 = tpu.memref_slice %arg15[%dma_start3A_131, %dma_start3A_132] : memref<10008x128xf32, #tpu.memory_space<vmem_shared>> -> memref<10008x128xf32, #tpu.memory_space<vmem_shared>>
      tpu.enqueue_indirect_dma source(%arg10 : memref<56x128xf32, #tpu.memory_space<vmem>>) target(%dma_start3A_133 : memref<10008x128xf32, #tpu.memory_space<vmem_shared>>) offsets(%dma_start3A_130 : memref<56xi32, #tpu.memory_space<vmem>>) semaphore(%arg17 : memref<!tpu.dma_semaphore, #tpu.memory_space<semaphore_mem>>) {add = true}
      %dma_start3A_134 = arith.constant 2 : i32
      %dma_start3A_135 = arith.constant 0 : i32
      %dma_start3A_136 = tpu.memref_slice %arg8[%dma_start3A_134, %dma_start3A_135] : memref<6x56xi32, #tpu.memory_space<vmem>> -> memref<1x56xi32, #tpu.memory_space<vmem>>
      %dma_start3A_137 = tpu.memref_squeeze %dma_start3A_136 : memref<1x56xi32, #tpu.memory_space<vmem>> -> memref<56xi32, #tpu.memory_space<vmem>>
      %dma_start3A_138 = arith.constant 0 : i32
      %dma_start3A_139 = arith.constant 0 : i32
      %dma_start3A_140 = tpu.memref_slice %arg15[%dma_start3A_138, %dma_start3A_139] : memref<10008x128xf32, #tpu.memory_space<vmem_shared>> -> memref<10008x128xf32, #tpu.memory_space<vmem_shared>>
      tpu.enqueue_indirect_dma source(%arg11 : memref<56x128xf32, #tpu.memory_space<vmem>>) target(%dma_start3A_140 : memref<10008x128xf32, #tpu.memory_space<vmem_shared>>) offsets(%dma_start3A_137 : memref<56xi32, #tpu.memory_space<vmem>>) semaphore(%arg17 : memref<!tpu.dma_semaphore, #tpu.memory_space<semaphore_mem>>) {add = true}
      %dma_wait3A_141 = arith.constant 3 : i32
      %dma_wait3A_142 = arith.constant 0 : i32
      %dma_wait3A_143 = tpu.memref_slice %arg7[%dma_wait3A_141, %dma_wait3A_142] : memref<6x56xi32, #tpu.memory_space<vmem>> -> memref<1x56xi32, #tpu.memory_space<vmem>>
      %dma_wait3A_144 = tpu.memref_squeeze %dma_wait3A_143 : memref<1x56xi32, #tpu.memory_space<vmem>> -> memref<56xi32, #tpu.memory_space<vmem>>
      %dma_wait3A_145 = arith.constant 0 : i32
      %dma_wait3A_146 = arith.constant 0 : i32
      %dma_wait3A_147 = tpu.memref_slice %arg2[%dma_wait3A_145, %dma_wait3A_146] : memref<40000x128xf32, #tpu.memory_space<hbm>> -> memref<40000x128xf32, #tpu.memory_space<hbm>>
      tpu.wait_indirect_dma semaphore(%arg16 : memref<!tpu.dma_semaphore, #tpu.memory_space<semaphore_mem>>) src(%dma_wait3A_147 : memref<40000x128xf32, #tpu.memory_space<hbm>>) dst(%arg12 : memref<56x128xf32, #tpu.memory_space<vmem>>)
      %dma_wait3A_148 = arith.constant 4 : i32
      %dma_wait3A_149 = arith.constant 0 : i32
      %dma_wait3A_150 = tpu.memref_slice %arg7[%dma_wait3A_148, %dma_wait3A_149] : memref<6x56xi32, #tpu.memory_space<vmem>> -> memref<1x56xi32, #tpu.memory_space<vmem>>
      %dma_wait3A_151 = tpu.memref_squeeze %dma_wait3A_150 : memref<1x56xi32, #tpu.memory_space<vmem>> -> memref<56xi32, #tpu.memory_space<vmem>>
      %dma_wait3A_152 = arith.constant 0 : i32
      %dma_wait3A_153 = arith.constant 0 : i32
      %dma_wait3A_154 = tpu.memref_slice %arg2[%dma_wait3A_152, %dma_wait3A_153] : memref<40000x128xf32, #tpu.memory_space<hbm>> -> memref<40000x128xf32, #tpu.memory_space<hbm>>
      tpu.wait_indirect_dma semaphore(%arg16 : memref<!tpu.dma_semaphore, #tpu.memory_space<semaphore_mem>>) src(%dma_wait3A_154 : memref<40000x128xf32, #tpu.memory_space<hbm>>) dst(%arg13 : memref<56x128xf32, #tpu.memory_space<vmem>>)
      %dma_wait3A_155 = arith.constant 5 : i32
      %dma_wait3A_156 = arith.constant 0 : i32
      %dma_wait3A_157 = tpu.memref_slice %arg7[%dma_wait3A_155, %dma_wait3A_156] : memref<6x56xi32, #tpu.memory_space<vmem>> -> memref<1x56xi32, #tpu.memory_space<vmem>>
      %dma_wait3A_158 = tpu.memref_squeeze %dma_wait3A_157 : memref<1x56xi32, #tpu.memory_space<vmem>> -> memref<56xi32, #tpu.memory_space<vmem>>
      %dma_wait3A_159 = arith.constant 0 : i32
      %dma_wait3A_160 = arith.constant 0 : i32
      %dma_wait3A_161 = tpu.memref_slice %arg2[%dma_wait3A_159, %dma_wait3A_160] : memref<40000x128xf32, #tpu.memory_space<hbm>> -> memref<40000x128xf32, #tpu.memory_space<hbm>>
      tpu.wait_indirect_dma semaphore(%arg16 : memref<!tpu.dma_semaphore, #tpu.memory_space<semaphore_mem>>) src(%dma_wait3A_161 : memref<40000x128xf32, #tpu.memory_space<hbm>>) dst(%arg14 : memref<56x128xf32, #tpu.memory_space<vmem>>)
      %dma_start3A_162 = arith.constant 3 : i32
      %dma_start3A_163 = arith.constant 0 : i32
      %dma_start3A_164 = tpu.memref_slice %arg8[%dma_start3A_162, %dma_start3A_163] : memref<6x56xi32, #tpu.memory_space<vmem>> -> memref<1x56xi32, #tpu.memory_space<vmem>>
      %dma_start3A_165 = tpu.memref_squeeze %dma_start3A_164 : memref<1x56xi32, #tpu.memory_space<vmem>> -> memref<56xi32, #tpu.memory_space<vmem>>
      %dma_start3A_166 = arith.constant 0 : i32
      %dma_start3A_167 = arith.constant 0 : i32
      %dma_start3A_168 = tpu.memref_slice %arg15[%dma_start3A_166, %dma_start3A_167] : memref<10008x128xf32, #tpu.memory_space<vmem_shared>> -> memref<10008x128xf32, #tpu.memory_space<vmem_shared>>
      tpu.enqueue_indirect_dma source(%arg12 : memref<56x128xf32, #tpu.memory_space<vmem>>) target(%dma_start3A_168 : memref<10008x128xf32, #tpu.memory_space<vmem_shared>>) offsets(%dma_start3A_165 : memref<56xi32, #tpu.memory_space<vmem>>) semaphore(%arg17 : memref<!tpu.dma_semaphore, #tpu.memory_space<semaphore_mem>>) {add = true}
      %dma_start3A_169 = arith.constant 4 : i32
      %dma_start3A_170 = arith.constant 0 : i32
      %dma_start3A_171 = tpu.memref_slice %arg8[%dma_start3A_169, %dma_start3A_170] : memref<6x56xi32, #tpu.memory_space<vmem>> -> memref<1x56xi32, #tpu.memory_space<vmem>>
      %dma_start3A_172 = tpu.memref_squeeze %dma_start3A_171 : memref<1x56xi32, #tpu.memory_space<vmem>> -> memref<56xi32, #tpu.memory_space<vmem>>
      %dma_start3A_173 = arith.constant 0 : i32
      %dma_start3A_174 = arith.constant 0 : i32
      %dma_start3A_175 = tpu.memref_slice %arg15[%dma_start3A_173, %dma_start3A_174] : memref<10008x128xf32, #tpu.memory_space<vmem_shared>> -> memref<10008x128xf32, #tpu.memory_space<vmem_shared>>
      tpu.enqueue_indirect_dma source(%arg13 : memref<56x128xf32, #tpu.memory_space<vmem>>) target(%dma_start3A_175 : memref<10008x128xf32, #tpu.memory_space<vmem_shared>>) offsets(%dma_start3A_172 : memref<56xi32, #tpu.memory_space<vmem>>) semaphore(%arg17 : memref<!tpu.dma_semaphore, #tpu.memory_space<semaphore_mem>>) {add = true}
      %dma_start3A_176 = arith.constant 5 : i32
      %dma_start3A_177 = arith.constant 0 : i32
      %dma_start3A_178 = tpu.memref_slice %arg8[%dma_start3A_176, %dma_start3A_177] : memref<6x56xi32, #tpu.memory_space<vmem>> -> memref<1x56xi32, #tpu.memory_space<vmem>>
      %dma_start3A_179 = tpu.memref_squeeze %dma_start3A_178 : memref<1x56xi32, #tpu.memory_space<vmem>> -> memref<56xi32, #tpu.memory_space<vmem>>
      %dma_start3A_180 = arith.constant 0 : i32
      %dma_start3A_181 = arith.constant 0 : i32
      %dma_start3A_182 = tpu.memref_slice %arg15[%dma_start3A_180, %dma_start3A_181] : memref<10008x128xf32, #tpu.memory_space<vmem_shared>> -> memref<10008x128xf32, #tpu.memory_space<vmem_shared>>
      tpu.enqueue_indirect_dma source(%arg14 : memref<56x128xf32, #tpu.memory_space<vmem>>) target(%dma_start3A_182 : memref<10008x128xf32, #tpu.memory_space<vmem_shared>>) offsets(%dma_start3A_179 : memref<56xi32, #tpu.memory_space<vmem>>) semaphore(%arg17 : memref<!tpu.dma_semaphore, #tpu.memory_space<semaphore_mem>>) {add = true}
      %dma_wait3A_183 = arith.constant 0 : i32
      %dma_wait3A_184 = arith.constant 0 : i32
      %dma_wait3A_185 = tpu.memref_slice %arg8[%dma_wait3A_183, %dma_wait3A_184] : memref<6x56xi32, #tpu.memory_space<vmem>> -> memref<1x56xi32, #tpu.memory_space<vmem>>
      %dma_wait3A_186 = tpu.memref_squeeze %dma_wait3A_185 : memref<1x56xi32, #tpu.memory_space<vmem>> -> memref<56xi32, #tpu.memory_space<vmem>>
      %dma_wait3A_187 = arith.constant 0 : i32
      %dma_wait3A_188 = arith.constant 0 : i32
      %dma_wait3A_189 = tpu.memref_slice %arg15[%dma_wait3A_187, %dma_wait3A_188] : memref<10008x128xf32, #tpu.memory_space<vmem_shared>> -> memref<10008x128xf32, #tpu.memory_space<vmem_shared>>
      tpu.wait_indirect_dma semaphore(%arg17 : memref<!tpu.dma_semaphore, #tpu.memory_space<semaphore_mem>>) src(%arg9 : memref<56x128xf32, #tpu.memory_space<vmem>>) dst(%dma_wait3A_189 : memref<10008x128xf32, #tpu.memory_space<vmem_shared>>)
      %dma_wait3A_190 = arith.constant 1 : i32
      %dma_wait3A_191 = arith.constant 0 : i32
      %dma_wait3A_192 = tpu.memref_slice %arg8[%dma_wait3A_190, %dma_wait3A_191] : memref<6x56xi32, #tpu.memory_space<vmem>> -> memref<1x56xi32, #tpu.memory_space<vmem>>
      %dma_wait3A_193 = tpu.memref_squeeze %dma_wait3A_192 : memref<1x56xi32, #tpu.memory_space<vmem>> -> memref<56xi32, #tpu.memory_space<vmem>>
      %dma_wait3A_194 = arith.constant 0 : i32
      %dma_wait3A_195 = arith.constant 0 : i32
      %dma_wait3A_196 = tpu.memref_slice %arg15[%dma_wait3A_194, %dma_wait3A_195] : memref<10008x128xf32, #tpu.memory_space<vmem_shared>> -> memref<10008x128xf32, #tpu.memory_space<vmem_shared>>
      tpu.wait_indirect_dma semaphore(%arg17 : memref<!tpu.dma_semaphore, #tpu.memory_space<semaphore_mem>>) src(%arg10 : memref<56x128xf32, #tpu.memory_space<vmem>>) dst(%dma_wait3A_196 : memref<10008x128xf32, #tpu.memory_space<vmem_shared>>)
      %dma_wait3A_197 = arith.constant 2 : i32
      %dma_wait3A_198 = arith.constant 0 : i32
      %dma_wait3A_199 = tpu.memref_slice %arg8[%dma_wait3A_197, %dma_wait3A_198] : memref<6x56xi32, #tpu.memory_space<vmem>> -> memref<1x56xi32, #tpu.memory_space<vmem>>
      %dma_wait3A_200 = tpu.memref_squeeze %dma_wait3A_199 : memref<1x56xi32, #tpu.memory_space<vmem>> -> memref<56xi32, #tpu.memory_space<vmem>>
      %dma_wait3A_201 = arith.constant 0 : i32
      %dma_wait3A_202 = arith.constant 0 : i32
      %dma_wait3A_203 = tpu.memref_slice %arg15[%dma_wait3A_201, %dma_wait3A_202] : memref<10008x128xf32, #tpu.memory_space<vmem_shared>> -> memref<10008x128xf32, #tpu.memory_space<vmem_shared>>
      tpu.wait_indirect_dma semaphore(%arg17 : memref<!tpu.dma_semaphore, #tpu.memory_space<semaphore_mem>>) src(%arg11 : memref<56x128xf32, #tpu.memory_space<vmem>>) dst(%dma_wait3A_203 : memref<10008x128xf32, #tpu.memory_space<vmem_shared>>)
      %dma_wait3A_204 = arith.constant 3 : i32
      %dma_wait3A_205 = arith.constant 0 : i32
      %dma_wait3A_206 = tpu.memref_slice %arg8[%dma_wait3A_204, %dma_wait3A_205] : memref<6x56xi32, #tpu.memory_space<vmem>> -> memref<1x56xi32, #tpu.memory_space<vmem>>
      %dma_wait3A_207 = tpu.memref_squeeze %dma_wait3A_206 : memref<1x56xi32, #tpu.memory_space<vmem>> -> memref<56xi32, #tpu.memory_space<vmem>>
      %dma_wait3A_208 = arith.constant 0 : i32
      %dma_wait3A_209 = arith.constant 0 : i32
      %dma_wait3A_210 = tpu.memref_slice %arg15[%dma_wait3A_208, %dma_wait3A_209] : memref<10008x128xf32, #tpu.memory_space<vmem_shared>> -> memref<10008x128xf32, #tpu.memory_space<vmem_shared>>
      tpu.wait_indirect_dma semaphore(%arg17 : memref<!tpu.dma_semaphore, #tpu.memory_space<semaphore_mem>>) src(%arg12 : memref<56x128xf32, #tpu.memory_space<vmem>>) dst(%dma_wait3A_210 : memref<10008x128xf32, #tpu.memory_space<vmem_shared>>)
      %dma_wait3A_211 = arith.constant 4 : i32
      %dma_wait3A_212 = arith.constant 0 : i32
      %dma_wait3A_213 = tpu.memref_slice %arg8[%dma_wait3A_211, %dma_wait3A_212] : memref<6x56xi32, #tpu.memory_space<vmem>> -> memref<1x56xi32, #tpu.memory_space<vmem>>
      %dma_wait3A_214 = tpu.memref_squeeze %dma_wait3A_213 : memref<1x56xi32, #tpu.memory_space<vmem>> -> memref<56xi32, #tpu.memory_space<vmem>>
      %dma_wait3A_215 = arith.constant 0 : i32
      %dma_wait3A_216 = arith.constant 0 : i32
      %dma_wait3A_217 = tpu.memref_slice %arg15[%dma_wait3A_215, %dma_wait3A_216] : memref<10008x128xf32, #tpu.memory_space<vmem_shared>> -> memref<10008x128xf32, #tpu.memory_space<vmem_shared>>
      tpu.wait_indirect_dma semaphore(%arg17 : memref<!tpu.dma_semaphore, #tpu.memory_space<semaphore_mem>>) src(%arg13 : memref<56x128xf32, #tpu.memory_space<vmem>>) dst(%dma_wait3A_217 : memref<10008x128xf32, #tpu.memory_space<vmem_shared>>)
      %dma_wait3A_218 = arith.constant 5 : i32
      %dma_wait3A_219 = arith.constant 0 : i32
      %dma_wait3A_220 = tpu.memref_slice %arg8[%dma_wait3A_218, %dma_wait3A_219] : memref<6x56xi32, #tpu.memory_space<vmem>> -> memref<1x56xi32, #tpu.memory_space<vmem>>
      %dma_wait3A_221 = tpu.memref_squeeze %dma_wait3A_220 : memref<1x56xi32, #tpu.memory_space<vmem>> -> memref<56xi32, #tpu.memory_space<vmem>>
      %dma_wait3A_222 = arith.constant 0 : i32
      %dma_wait3A_223 = arith.constant 0 : i32
      %dma_wait3A_224 = tpu.memref_slice %arg15[%dma_wait3A_222, %dma_wait3A_223] : memref<10008x128xf32, #tpu.memory_space<vmem_shared>> -> memref<10008x128xf32, #tpu.memory_space<vmem_shared>>
      tpu.wait_indirect_dma semaphore(%arg17 : memref<!tpu.dma_semaphore, #tpu.memory_space<semaphore_mem>>) src(%arg14 : memref<56x128xf32, #tpu.memory_space<vmem>>) dst(%dma_wait3A_224 : memref<10008x128xf32, #tpu.memory_space<vmem_shared>>)
    }
    %scan3A_46 = arith.constant 60 : i32
    %barrier3A_47 = arith.constant 0 : index
    tpu.barrier barrier_id(%barrier3A_47)
    %lt3A_48 = arith.constant 15 : i32
    %lt3A_49 = arith.cmpi slt, %arg1, %lt3A_48 : i32
    %convert_element_type3A_50 = arith.extui %lt3A_49 : i1 to i32
    %cond3A_51 = arith.constant 0 : i32
    %cond3A_52 = arith.cmpi ne, %convert_element_type3A_50, %cond3A_51 : i32
    scf.if %cond3A_52 {
      "tpu.region"() ({
        %run_scoped3A = tpu.sem_alloc : memref<!tpu.dma_semaphore, #tpu.memory_space<semaphore_mem>>
        %dma_start3A = arith.constant 0 : i32
        %dma_start3A_58 = tpu.memref_slice %arg6[%add3A_29, %mul3A_0, %dma_start3A] : memref<4x10000x128xf32, #tpu.memory_space<hbm>> -> memref<1x632x128xf32, #tpu.memory_space<hbm>>
        %dma_start3A_59 = tpu.memref_squeeze %dma_start3A_58 : memref<1x632x128xf32, #tpu.memory_space<hbm>> -> memref<632x128xf32, #tpu.memory_space<hbm>>
        %dma_start3A_60 = arith.constant 0 : i32
        %dma_start3A_61 = tpu.memref_slice %arg15[%mul3A_0, %dma_start3A_60] : memref<10008x128xf32, #tpu.memory_space<vmem_shared>> -> memref<632x128xf32, #tpu.memory_space<vmem_shared>>
        tpu.enqueue_dma source(%dma_start3A_61 : memref<632x128xf32, #tpu.memory_space<vmem_shared>>) target(%dma_start3A_59 : memref<632x128xf32, #tpu.memory_space<hbm>>) target_semaphore(%run_scoped3A : memref<!tpu.dma_semaphore, #tpu.memory_space<semaphore_mem>>)
        %dma_wait3A = arith.constant 0 : i32
        %dma_wait3A_62 = tpu.memref_slice %arg6[%add3A_29, %mul3A_0, %dma_wait3A] : memref<4x10000x128xf32, #tpu.memory_space<hbm>> -> memref<1x632x128xf32, #tpu.memory_space<hbm>>
        %dma_wait3A_63 = tpu.memref_squeeze %dma_wait3A_62 : memref<1x632x128xf32, #tpu.memory_space<hbm>> -> memref<632x128xf32, #tpu.memory_space<hbm>>
        %dma_wait3A_64 = arith.constant 0 : i32
        %dma_wait3A_65 = tpu.memref_slice %arg15[%mul3A_0, %dma_wait3A_64] : memref<10008x128xf32, #tpu.memory_space<vmem_shared>> -> memref<632x128xf32, #tpu.memory_space<vmem_shared>>
        tpu.wait_dma2 semaphore(%run_scoped3A : memref<!tpu.dma_semaphore, #tpu.memory_space<semaphore_mem>>) src(%dma_wait3A_65 : memref<632x128xf32, #tpu.memory_space<vmem_shared>>) dst(%dma_wait3A_63 : memref<632x128xf32, #tpu.memory_space<hbm>>)
        tpu.yield
      }) : () -> ()
    } else {
    }
    %eq3A_53 = arith.constant 15 : i32
    %eq3A_54 = arith.cmpi eq, %arg1, %eq3A_53 : i32
    %convert_element_type3A_55 = arith.extui %eq3A_54 : i1 to i32
    %cond3A_56 = arith.constant 0 : i32
    %cond3A_57 = arith.cmpi ne, %convert_element_type3A_55, %cond3A_56 : i32
    scf.if %cond3A_57 {
      "tpu.region"() ({
        %run_scoped3A = tpu.sem_alloc : memref<!tpu.dma_semaphore, #tpu.memory_space<semaphore_mem>>
        %dma_start3A = arith.constant 0 : i32
        %dma_start3A_58 = tpu.memref_slice %arg6[%add3A_29, %mul3A_0, %dma_start3A] : memref<4x10000x128xf32, #tpu.memory_space<hbm>> -> memref<1x520x128xf32, #tpu.memory_space<hbm>>
        %dma_start3A_59 = tpu.memref_squeeze %dma_start3A_58 : memref<1x520x128xf32, #tpu.memory_space<hbm>> -> memref<520x128xf32, #tpu.memory_space<hbm>>
        %dma_start3A_60 = arith.constant 0 : i32
        %dma_start3A_61 = tpu.memref_slice %arg15[%mul3A_0, %dma_start3A_60] : memref<10008x128xf32, #tpu.memory_space<vmem_shared>> -> memref<520x128xf32, #tpu.memory_space<vmem_shared>>
        tpu.enqueue_dma source(%dma_start3A_61 : memref<520x128xf32, #tpu.memory_space<vmem_shared>>) target(%dma_start3A_59 : memref<520x128xf32, #tpu.memory_space<hbm>>) target_semaphore(%run_scoped3A : memref<!tpu.dma_semaphore, #tpu.memory_space<semaphore_mem>>)
        %dma_wait3A = arith.constant 0 : i32
        %dma_wait3A_62 = tpu.memref_slice %arg6[%add3A_29, %mul3A_0, %dma_wait3A] : memref<4x10000x128xf32, #tpu.memory_space<hbm>> -> memref<1x520x128xf32, #tpu.memory_space<hbm>>
        %dma_wait3A_63 = tpu.memref_squeeze %dma_wait3A_62 : memref<1x520x128xf32, #tpu.memory_space<hbm>> -> memref<520x128xf32, #tpu.memory_space<hbm>>
        %dma_wait3A_64 = arith.constant 0 : i32
        %dma_wait3A_65 = tpu.memref_slice %arg15[%mul3A_0, %dma_wait3A_64] : memref<10008x128xf32, #tpu.memory_space<vmem_shared>> -> memref<520x128xf32, #tpu.memory_space<vmem_shared>>
        tpu.wait_dma2 semaphore(%run_scoped3A : memref<!tpu.dma_semaphore, #tpu.memory_space<semaphore_mem>>) src(%dma_wait3A_65 : memref<520x128xf32, #tpu.memory_space<vmem_shared>>) dst(%dma_wait3A_63 : memref<520x128xf32, #tpu.memory_space<hbm>>)
        tpu.yield
      }) : () -> ()
    } else {
    }
    return
  }
}

module attributes {stable_mosaic.version = 14 : i64} {
  func.func @_mm_body(%arg0: i32, %arg1: memref<1000x128xf32, #tpu.memory_space<vmem>>, %arg2: memref<128x128xf32, #tpu.memory_space<vmem>>, %arg3: memref<1x128xf32, #tpu.memory_space<vmem>>, %arg4: memref<1000x128xf32, #tpu.memory_space<vmem>>) attributes {dimension_semantics = [#tpu.dimension_semantics<arbitrary>], iteration_bounds = array<i64: 40>, scalar_prefetch = 0 : i64, scratch_operands = 0 : i64, tpu.core_type = #tpu.core_type<tc>, window_params = [{transform_indices = @transform_0, window_bounds = array<i64: 1000, 128>}, {pipeline_mode = #tpu.pipeline_mode<synchronous>, transform_indices = @transform_1, window_bounds = array<i64: 128, 128>}, {pipeline_mode = #tpu.pipeline_mode<synchronous>, transform_indices = @transform_2, window_bounds = array<i64: 1, 128>}, {transform_indices = @transform_3, window_bounds = array<i64: 1000, 128>}]} {
    %get3A = arith.constant 0 : index
    %get3A_0 = arith.constant 0 : index
    %get3A_1 = vector.load %arg1[%get3A, %get3A_0] : memref<1000x128xf32, #tpu.memory_space<vmem>>, vector<1000x128xf32>
    %get3A_2 = arith.constant 0 : index
    %get3A_3 = arith.constant 0 : index
    %get3A_4 = vector.load %arg2[%get3A_2, %get3A_3] : memref<128x128xf32, #tpu.memory_space<vmem>>, vector<128x128xf32>
    %dot_general3A = arith.constant dense<0.000000e+00> : vector<1000x128xf32>
    %dot_general3A_5 = tpu.matmul %get3A_1, %get3A_4, %dot_general3A {dimension_numbers = #tpu.dot_dimension_numbers<[1], [1], [0], [0], [0, 0, 1, 0], [], []>, transpose_lhs_hint = false} : vector<1000x128xf32>, vector<128x128xf32>, vector<1000x128xf32> -> vector<1000x128xf32>
    %get3A_6 = arith.constant 0 : index
    %get3A_7 = arith.constant 0 : index
    %get3A_8 = vector.load %arg3[%get3A_6, %get3A_7] : memref<1x128xf32, #tpu.memory_space<vmem>>, vector<1x128xf32>
    %add3A = vector.broadcast %get3A_8 : vector<1x128xf32> to vector<1000x128xf32>
    %add3A_9 = arith.addf %dot_general3A_5, %add3A : vector<1000x128xf32>
    %swap3A = arith.constant 0 : index
    %swap3A_10 = arith.constant 0 : index
    %swap3A_11 = vector.load %arg4[%swap3A, %swap3A_10] : memref<1000x128xf32, #tpu.memory_space<vmem>>, vector<1000x128xf32>
    tpu.vector_store %arg4[%swap3A, %swap3A_10], %add3A_9 {strides = array<i32>} : memref<1000x128xf32, #tpu.memory_space<vmem>>, vector<1000x128xf32>,
    return
  }
  func.func @transform_0(%arg0: i32) -> (i32, i32) {
    %c0_i32 = arith.constant 0 : i32
    %c0_i32_0 = arith.constant 0 : i32
    return %arg0, %c0_i32 : i32, i32
  }
  func.func @transform_1(%arg0: i32) -> (i32, i32) {
    %c0_i32 = arith.constant 0 : i32
    %c0_i32_0 = arith.constant 0 : i32
    %c0_i32_1 = arith.constant 0 : i32
    return %c0_i32, %c0_i32_0 : i32, i32
  }
  func.func @transform_2(%arg0: i32) -> (i32, i32) {
    %c0_i32 = arith.constant 0 : i32
    %c0_i32_0 = arith.constant 0 : i32
    %c0_i32_1 = arith.constant 0 : i32
    return %c0_i32, %c0_i32_0 : i32, i32
  }
  func.func @transform_3(%arg0: i32) -> (i32, i32) {
    %c0_i32 = arith.constant 0 : i32
    %c0_i32_0 = arith.constant 0 : i32
    return %arg0, %c0_i32 : i32, i32
  }
}

module attributes {stable_mosaic.version = 14 : i64} {
  func.func @_ln_body(%arg0: i32, %arg1: memref<1000x128xf32, #tpu.memory_space<vmem>>, %arg2: memref<1000x128xf32, #tpu.memory_space<vmem>>, %arg3: memref<1x128xf32, #tpu.memory_space<vmem>>, %arg4: memref<1x128xf32, #tpu.memory_space<vmem>>, %arg5: memref<1000x128xf32, #tpu.memory_space<vmem>>) attributes {dimension_semantics = [#tpu.dimension_semantics<arbitrary>], iteration_bounds = array<i64: 40>, scalar_prefetch = 0 : i64, scratch_operands = 0 : i64, tpu.core_type = #tpu.core_type<tc>, window_params = [{transform_indices = @transform_0, window_bounds = array<i64: 1000, 128>}, {transform_indices = @transform_1, window_bounds = array<i64: 1000, 128>}, {pipeline_mode = #tpu.pipeline_mode<synchronous>, transform_indices = @transform_2, window_bounds = array<i64: 1, 128>}, {pipeline_mode = #tpu.pipeline_mode<synchronous>, transform_indices = @transform_3, window_bounds = array<i64: 1, 128>}, {transform_indices = @transform_4, window_bounds = array<i64: 1000, 128>}]} {
    %get3A = arith.constant 0 : index
    %get3A_0 = arith.constant 0 : index
    %get3A_1 = vector.load %arg1[%get3A, %get3A_0] : memref<1000x128xf32, #tpu.memory_space<vmem>>, vector<1000x128xf32>
    %get3A_2 = arith.constant 0 : index
    %get3A_3 = arith.constant 0 : index
    %get3A_4 = vector.load %arg2[%get3A_2, %get3A_3] : memref<1000x128xf32, #tpu.memory_space<vmem>>, vector<1000x128xf32>
    %mul3A = arith.constant 0.00999999977 : f32
    %mul3A_5 = vector.broadcast %mul3A : f32 to vector<1000x128xf32>
    %mul3A_6 = arith.mulf %get3A_4, %mul3A_5 : vector<1000x128xf32>
    %add3A = arith.addf %get3A_1, %mul3A_6 : vector<1000x128xf32>
    %reduce_sum3A = arith.constant dense<0.000000e+00> : vector<1000xf32>
    %reduce_sum3A_7 = vector.multi_reduction <add>, %add3A, %reduce_sum3A [1] : vector<1000x128xf32> to vector<1000xf32>
    %broadcast_in_dim3A = vector.shape_cast %reduce_sum3A_7 : vector<1000xf32> to vector<1000x1xf32>
    %div3A = arith.constant 1.280000e+02 : f32
    %div3A_8 = vector.broadcast %div3A : f32 to vector<1000x1xf32>
    %div3A_9 = arith.divf %broadcast_in_dim3A, %div3A_8 : vector<1000x1xf32>
    %sub3A = vector.broadcast %div3A_9 : vector<1000x1xf32> to vector<1000x128xf32>
    %sub3A_10 = arith.subf %add3A, %sub3A : vector<1000x128xf32>
    %mul3A_11 = arith.mulf %sub3A_10, %sub3A_10 : vector<1000x128xf32>
    %reduce_sum3A_12 = arith.constant dense<0.000000e+00> : vector<1000xf32>
    %reduce_sum3A_13 = vector.multi_reduction <add>, %mul3A_11, %reduce_sum3A_12 [1] : vector<1000x128xf32> to vector<1000xf32>
    %broadcast_in_dim3A_14 = vector.shape_cast %reduce_sum3A_13 : vector<1000xf32> to vector<1000x1xf32>
    %div3A_15 = arith.constant 1.280000e+02 : f32
    %div3A_16 = vector.broadcast %div3A_15 : f32 to vector<1000x1xf32>
    %div3A_17 = arith.divf %broadcast_in_dim3A_14, %div3A_16 : vector<1000x1xf32>
    %add3A_18 = arith.constant 9.99999974E-6 : f32
    %add3A_19 = vector.broadcast %add3A_18 : f32 to vector<1000x1xf32>
    %add3A_20 = arith.addf %div3A_17, %add3A_19 : vector<1000x1xf32>
    %rsqrt3A = math.rsqrt %add3A_20 : vector<1000x1xf32>
    %mul3A_21 = vector.broadcast %rsqrt3A : vector<1000x1xf32> to vector<1000x128xf32>
    %mul3A_22 = arith.mulf %sub3A_10, %mul3A_21 : vector<1000x128xf32>
    %get3A_23 = arith.constant 0 : index
    %get3A_24 = arith.constant 0 : index
    %get3A_25 = vector.load %arg3[%get3A_23, %get3A_24] : memref<1x128xf32, #tpu.memory_space<vmem>>, vector<1x128xf32>
    %mul3A_26 = vector.broadcast %get3A_25 : vector<1x128xf32> to vector<1000x128xf32>
    %mul3A_27 = arith.mulf %mul3A_22, %mul3A_26 : vector<1000x128xf32>
    %get3A_28 = arith.constant 0 : index
    %get3A_29 = arith.constant 0 : index
    %get3A_30 = vector.load %arg4[%get3A_28, %get3A_29] : memref<1x128xf32, #tpu.memory_space<vmem>>, vector<1x128xf32>
    %add3A_31 = vector.broadcast %get3A_30 : vector<1x128xf32> to vector<1000x128xf32>
    %add3A_32 = arith.addf %mul3A_27, %add3A_31 : vector<1000x128xf32>
    %max3A = arith.constant 0.000000e+00 : f32
    %max3A_33 = vector.broadcast %max3A : f32 to vector<1000x128xf32>
    %max3A_34 = arith.maximumf %add3A_32, %max3A_33 : vector<1000x128xf32>
    %swap3A = arith.constant 0 : index
    %swap3A_35 = arith.constant 0 : index
    %swap3A_36 = vector.load %arg5[%swap3A, %swap3A_35] : memref<1000x128xf32, #tpu.memory_space<vmem>>, vector<1000x128xf32>
    tpu.vector_store %arg5[%swap3A, %swap3A_35], %max3A_34 {strides = array<i32>} : memref<1000x128xf32, #tpu.memory_space<vmem>>, vector<1000x128xf32>,
    return
  }
  func.func @transform_0(%arg0: i32) -> (i32, i32) {
    %c0_i32 = arith.constant 0 : i32
    %c0_i32_0 = arith.constant 0 : i32
    return %arg0, %c0_i32 : i32, i32
  }
  func.func @transform_1(%arg0: i32) -> (i32, i32) {
    %c0_i32 = arith.constant 0 : i32
    %c0_i32_0 = arith.constant 0 : i32
    return %arg0, %c0_i32 : i32, i32
  }
  func.func @transform_2(%arg0: i32) -> (i32, i32) {
    %c0_i32 = arith.constant 0 : i32
    %c0_i32_0 = arith.constant 0 : i32
    %c0_i32_1 = arith.constant 0 : i32
    return %c0_i32, %c0_i32_0 : i32, i32
  }
  func.func @transform_3(%arg0: i32) -> (i32, i32) {
    %c0_i32 = arith.constant 0 : i32
    %c0_i32_0 = arith.constant 0 : i32
    %c0_i32_1 = arith.constant 0 : i32
    return %c0_i32, %c0_i32_0 : i32, i32
  }
  func.func @transform_4(%arg0: i32) -> (i32, i32) {
    %c0_i32 = arith.constant 0 : i32
    %c0_i32_0 = arith.constant 0 : i32
    return %arg0, %c0_i32 : i32, i32
  }
}

</mosaic_0001>

<sc_bundles>
// kernel: kernel.5.cloned.1.call-start
scs
__scs_entry_jumppad:
0x0: {  	(pc) =	sbr.rel $0x88, $3  }
0x1: {  	(tag) =	ssettag $0x0;
	lr =	simm.s32 $0x1  }
0x2: {  	[smem:$0x3F9B] =	sst lr;
	_ =	strace $0xD0000000  }
0x3: {  	_ = 	snop  }
0x4: {  	_ = 	snop  }
0x5: {  	_ = 	snop  }
0x6: {  	_ = 	snop  }
0x7: {  	_ = 	snop  }
__scs_overlays_trampoline_lowered:
0x8: {  	[smem:$0x3FAA] =	sst s0  }
0x9: {  	[smem:$0x3FAB] =	sst s1  }
0xa: {  	[smem:$0x3FAC] =	sst s2  }
0xb: {  	[smem:$0x3FAD] =	sst s3  }
0xc: {  	[smem:$0x3FAE] =	sst s4  }
0xd: {  	[smem:$0x3FAF] =	sst s5  }
0xe: {  	[smem:$0x3FB0] =	sst s6  }
0xf: {  	[smem:$0x3FB1] =	sst s7  }
0x10: {  	[smem:$0x3FB2] =	sst s8  }
0x11: {  	[smem:$0x3FB3] =	sst s9;
	s0 =	simm.s32 @!p0 $0x0  }
0x12: {  	s1 =	sld [smem:$0x3F99];
	s0 =	simm.s32 @p0 $0x1  }
0x13: {  	[smem:$0x3FB4] =	sst s0;
	s0 =	simm.s32 @!p1 $0x0  }
0x14: {  	s2 =	sld [smem:$0x3F98];
	s0 =	simm.s32 @p1 $0x1  }
0x15: {  	[smem:$0x3FB5] =	sst s0;
	s0 =	simm.s32 @!p2 $0x0  }
0x16: {  	s3 =	sld [smem:$0x3FDB];
	s0 =	simm.s32 @p2 $0x1  }
0x17: {  	s4 =	simm.s32 $0x1BF5;
	[smem:$0x3FB7] =	sst s0  }
0x18: {  	s0 =	sld [smem:$0x3F9A];
	_ =	swait.ge [sflag:s4], $0x0  }
0x19: {  	s7 =	sld [smem:$0x3F9B]  }
0x1a: {  	s8 =	sadd.s32 $0xFFFFE003, lr  }
0x1b: {  	s9 =	sadd.s32 $0xFFFFFEF7, lr;
	s5 =	simm.s32 $0xFFFFFFFF;
	p2 =	slt.u32 s8, $0xFFFFF086  }
0x1c: {  	p1 =	slt.u32 s9, $0xF7A;
	s5 =	simm.s32 @!p2 $0x0  }
0x1d: {  	s5 =	simm.s32 @p1 $0x1;
	p0 =	seq.s32 s7, s2  }
0x1e: {  	s7 =	smul.u32 @!p0 $0xF7A, s2;
	p2 =	seq.s32 @!p0 s5, $0x0  }
0x1f: {  	s9 =	smul.u32 $0xF7A, s1;
	s8 =	simm.s32 @!p0 $0x1BF5;
	p2 =	por !p2, p0  }
0x20: {  	[sflag:s8] =	ssyncset.s32 @!p0 $0xFFFFF086;
	s6 =	sadd.s32 @!p0 s3, s7;
	s7 =	simm.s32 @!p0 $0x108  }
0x21: {  	s3 =	sadd.s32 s3, s9;
	s6 =	sadd.s32 @!p0 $0x88, s6;
	s7 =	simm.s32 @p2 $0x1082  }
0x22: {  	[simem:s7], [sflag:s8] =	dma.local @!p0 [hbm:s6], $0xF7A  }
0x23: {  	s9 =	sor.u32 $0xD0000000, s2;
	s6 =	simm.s32 $0x108;
	_ =	swait.ge @!p0 [sflag:s8], $0x0  }
0x24: {  	s3 =	sadd.s32 $0x88, s3;
	s6 =	simm.s32 @!p1 $0x1082;
	[sflag:s4] =	ssyncset.s32 $0xFFFFF086  }
0x25: {  	[simem:s6], [sflag:s4] =	dma.local [hbm:s3], $0xF7A  }
0x26: {  	[smem:$0x3F9B] =	sst s1;
	(tag) =	ssettag s2;
	_ =	strace s9  }
0x27: {  	s1 =	sld [smem:$0x3FAB]  }
0x28: {  	s2 =	sld [smem:$0x3FAC]  }
0x29: {  	s4 =	sld [smem:$0x3FAE]  }
0x2a: {  	p0 =	seq.s32 s5, $0x0;
	s5 =	sld [smem:$0x3FAF]  }
0x2b: {  	s6 =	sld [smem:$0x3FB0]  }
0x2c: {  	s7 =	sld [smem:$0x3FB1]  }
0x2d: {  	s3 =	simm.s32 $0x108;
	s8 =	sld [smem:$0x3FB2]  }
0x2e: {  	s3 =	simm.s32 @!p0 $0x1082;
	s9 =	sld [smem:$0x3FB3]  }
0x2f: {  	lr =	sadd.s32 s0, s3;
	s0 =	sld [smem:$0x3FAA]  }
0x30: {  	s3 =	sld [smem:$0x3FAD]  }
0x31: {  	[smem:$0x3FB6] =	sst s10  }
0x32: {  	s10 =	sld [smem:$0x3FB4];
	_ =	sdelay $0x3  }
0x33: {  	p0 =	seq.s32 s10, $0x1;
	s10 =	sld [smem:$0x3FB6];
	_ =	sdelay $0x3  }
0x34: {  	[smem:$0x3FB6] =	sst s10  }
0x35: {  	s10 =	sld [smem:$0x3FB5];
	_ =	sdelay $0x3  }
0x36: {  	p1 =	seq.s32 s10, $0x1;
	s10 =	sld [smem:$0x3FB6];
	_ =	sdelay $0x3  }
0x37: {  	[smem:$0x3FB6] =	sst s10  }
0x38: {  	s10 =	sld [smem:$0x3FB7]  }
0x39: {  	_ = 	snop;
	(pc) =	sbr.ind lr, $3  }
0x3a: {  	_ = 	snop  }
0x3b: {  	_ = 	snop  }
0x3c: {  	p2 =	seq.s32 s10, $0x1;
	s10 =	sld [smem:$0x3FB6]  }
0x3d: {  	_ =	shalt  }
0x3e: {  	_ =	shalt  }
0x3f: {  	_ =	shalt  }
0x40: {  	_ =	shalt  }
0x41: {  	_ =	shalt  }
0x42: {  	_ =	shalt  }
0x43: {  	_ =	shalt  }
0x44: {  	_ =	shalt  }
0x45: {  	_ =	shalt  }
0x46: {  	_ =	shalt  }
0x47: {  	_ =	shalt  }
0x48: {  	_ =	shalt  }
0x49: {  	_ =	shalt  }
0x4a: {  	_ =	shalt  }
0x4b: {  	_ =	shalt  }
0x4c: {  	_ =	shalt  }
0x4d: {  	_ =	shalt  }
0x4e: {  	_ =	shalt  }
0x4f: {  	_ =	shalt  }
0x50: {  	_ =	shalt  }
0x51: {  	_ =	shalt  }
0x52: {  	_ =	shalt  }
0x53: {  	_ =	shalt  }
0x54: {  	_ =	shalt  }
0x55: {  	_ =	shalt  }
0x56: {  	_ =	shalt  }
0x57: {  	_ =	shalt  }
0x58: {  	_ =	shalt  }
0x59: {  	_ =	shalt  }
0x5a: {  	_ =	shalt  }
0x5b: {  	_ =	shalt  }
0x5c: {  	_ =	shalt  }
0x5d: {  	_ =	shalt  }
0x5e: {  	_ =	shalt  }
0x5f: {  	_ =	shalt  }
0x60: {  	_ =	shalt  }
0x61: {  	_ =	shalt  }
0x62: {  	_ =	shalt  }
0x63: {  	_ =	shalt  }
0x64: {  	_ =	shalt  }
0x65: {  	_ =	shalt  }
0x66: {  	_ =	shalt  }
0x67: {  	_ =	shalt  }
0x68: {  	_ =	shalt  }
0x69: {  	_ =	shalt  }
0x6a: {  	_ =	shalt  }
0x6b: {  	_ =	shalt  }
0x6c: {  	_ =	shalt  }
0x6d: {  	_ =	shalt  }
0x6e: {  	_ =	shalt  }
0x6f: {  	_ =	shalt  }
0x70: {  	_ =	shalt  }
0x71: {  	_ =	shalt  }
0x72: {  	_ =	shalt  }
0x73: {  	_ =	shalt  }
0x74: {  	_ =	shalt  }
0x75: {  	_ =	shalt  }
0x76: {  	_ =	shalt  }
0x77: {  	_ =	shalt  }
0x78: {  	_ =	shalt  }
0x79: {  	_ =	shalt  }
0x7a: {  	_ =	shalt  }
0x7b: {  	_ =	shalt  }
0x7c: {  	_ =	shalt  }
0x7d: {  	_ =	shalt  }
0x7e: {  	_ =	shalt  }
0x7f: {  	_ =	shalt  }
0x80: {  	_ =	shalt  }
0x81: {  	_ =	shalt  }
0x82: {  	_ =	shalt  }
0x83: {  	_ =	shalt  }
0x84: {  	_ =	shalt  }
0x85: {  	_ =	shalt  }
0x86: {  	_ =	shalt  }
0x87: {  	_ =	shalt  }
.Lfunc_end0:
.L_simem_size_0:
called_computation_lowered:
.L_overlay_start_0:
0x88: {  	s2 =	sld [smem:$0x3FD9]  }
0x89: {  	s3 =	sld [smem:$0x3FFE];
	_ =	sdelay $0x1  }
0x8a: {  	s1 =	srdreg.scid  }
0x8b: {  	s0 =	sand.u32 $0x1, s1  }
0x8c: {  	s17 =	sshll.u32 s0, $0xA;
	s2 =	sadd.s32 s3, s2  }
0x8d: {  	s2 =	sadd.s32 s2, s17  }
0x8e: {  	[smem:$0x3FC2] =	sst s2  }
0x8f: {  	_ = 	snop  }
0x90: {  	s2 =	sld [smem:$0x3FD0];
	(tm) =	ssettm $0x1  }
0x91: {  	s18 =	sld [smem:$0x3FFB];
	_ =	sdelay $0x3  }
0x92: {  	_ =	strace s18  }
0x93: {  	s3 =	sld [smem:$0x3FFC];
	_ =	sdelay $0x3  }
0x94: {  	_ =	strace s3  }
0x95: {  	s3 =	sld [smem:$0x3FFD];
	_ =	sdelay $0x3  }
0x96: {  	_ =	strace s3  }
0x97: {  	_ =	strace $0x8FFFFFFF  }
0x98: {  	s19 =	sld [smem:$0x3FDB];
	_ =	sdelay $0x1  }
0x99: {  	s4 =	simm.s32 $_scs_section_size  }
0x9a: {  	s5 =	simm.s32 $_size__tile_overlayer_lowered;
	s6 =	simm.s32 $_tile_overlayer_lowered  }
0x9b: {  	s22 =	simm.s32 $0x1BFF;
	s21 =	sshll.u32 s6, $0x1;
	s3 =	sadd.s32 s4, s19  }
0x9c: {  	s7 =	simm.s32 $0x0;
	s20 =	sshll.u32 s5, $0x1;
	s5 =	sadd.s32 s21, s3  }
0x9d: {  	[timem:s7], [sflag:s22] =	dma.local [hbm:s5], s20  }
0x9e: {  	_ =	swait.ge [sflag:s22], s20  }
0x9f: {  	s4 =	ssub.s32 $0x0, s20;
	[sflag:s22] =	ssyncset.done $0x0  }
0xa0: {  	[sflag:s22] =	ssyncadd.s32 s4;
	_ =	sdelay $0x1  }
0xa1: {  	s23 =	simm.s32 $0x1B8B  }
0xa2: {  	_ =	swait.ge [sflag:s23], $0x1  }
0xa3: {  	[sflag:s23] =	ssyncset.done $0x0  }
0xa4: {  	s25 =	simm.s32 $0x1B8E;
	s24 =	sld [smem:$0x3FFE];
	[sflag:s23] =	ssyncadd.s32 $0xFFFFFFFF  }
0xa5: {  	s26 =	simm.s32 $execute0_lowered;
	[smem:$0x3FD2] =	sst s25  }
0xa6: {  	s5 =	sshll.u32 s26, $0x1;
	_ =	strace $0x80000046;
	[dreg:$0x1] =	wrdreg $0xFFFFFFFF  }
0xa7: {  	s28 =	simm.s32 $_size_execute0_lowered;
	s3 =	sadd.s32 s3, s5;
	[dreg:$0x0] =	wrdreg $0x0  }
0xa8: {  	s5 =	sshll.u32 s28, $0x1;
	[dreg:$0x2] =	wrdreg s3  }
0xa9: {  	[dreg:$0x3] =	wrdreg s5  }
0xaa: {  	[dreg:$0x4] =	wrdreg $0xC0  }
0xab: {  	_ =	task [dreg:s7], $0x5FFFF  }
0xac: {  	[dreg:$0x1] =	wrdreg $0xFFFFFFFF  }
0xad: {  	[dreg:$0x0] =	wrdreg $0x60  }
0xae: {  	[dreg:$0x2] =	wrdreg s2  }
0xaf: {  	[dreg:$0x3] =	wrdreg s24  }
0xb0: {  	[dreg:$0x4] =	wrdreg $0xB0000  }
0xb1: {  	[dreg:$0x5] =	wrdreg $0x9  }
0xb2: {  	_ =	task.clear_ibuf [dreg:s7], $0x6FFFF;
	_ =	strace $0x90000046  }
0xb3: {  	s29 =	simm.s32 $0x9;
	_ =	strace $0x80000048  }
0xb4: {  	_ =	swait.ge [sflag:s29], $0x1  }
0xb5: {  	[sflag:s29] =	ssyncadd.s32 $0xFFFFFFFF  }
0xb6: {  	_ =	strace $0x90000048  }
0xb7: {  	_ =	sfence  }
0xb8: {  	s30 =	sld [smem:$0x0];
	_ =	sdelay $0x2  }
0xb9: {  	s31 =	sshll.u32 s1, $0xD;
	s1 =	sshrl.u32 s1, $0x2  }
0xba: {  	s3 =	sand.u32 $0x4000, s31;
	s1 =	sadd.s32 s1, s30  }
0xbb: {  	s0 =	sor.u32 s3, s0;
	s1 =	sshll.u32 s1, $0x11  }
0xbc: {  	s0 =	sor.u32 s1, s0  }
0xbd: {  	s0 =	sadd.s32 $0x8F2B, s0  }
0xbe: {  	[sflag:s0] =	ssyncadd.remote.s32 $0x1  }
0xbf: {  	_ =	sfence.sel $0xFFFF  }
0xc0: {  	[dreg:$0x0] =	wrdreg $0xFFFFFFFF;
	(pc) =	sbr.abs _section_cstart, $3  }
0xc1: {  	[dreg:$0x1] =	wrdreg $0xFFFFFFFF  }
0xc2: {  	_ =	task.clear_ibuf [dreg:s7], $0x2FFFF;
	_ =	strace $0x9FFFFFFF  }
0xc3: {  	(tm) =	ssettm $0x7FFFFFFF  }
tec
execute0_lowered:
.L_overlay_start_1:
0x0: {  	(tag) =	ssettag $0x1  }
0x1: {  	s1 =	rddreg [dreg:$0x0]  }
0x2: {  	s0 =	rddreg [dreg:$0x1]  }
0x3: {  	s2 =	rddreg [dreg:$0x2]  }
0x4: {  	s3 =	simm.s32 $0x0;
	s6 =	srdreg.scid;
	s16 =	stileid.u32  }
0x5: {  	s18 =	simm.s32 $0x3;
	s20 =	simm.s32 $0x38;
	s21 =	simm.s32 $0x800  }
0x6: {  	s29 =	simm.s32 $0x180;
	s28 =	simm.s32 $0x5C00;
	s31 =	simm.s32 $0x200  }
0x7: {  	s30 =	simm.s32 $0x7800;
	s19 =	simm.s32 $0x680;
	s15 =	simm.s32 $0x0  }
0x8: {  	[smem:$0x7FF] =	sst s3;
	s4 =	sadd.s32 $0x2400, s0;
	s22 =	smul.u32 $0x4F000, s16  }
0x9: {  	s5 =	sadd.s32 $0x7A400, s0;
	s7 =	sadd.s32 $0xF2400, s0;
	s11 =	smul.u32 $0x13C00, s16  }
0xa: {  	s6 =	sand.u32 $0x1, s6;
	s0 =	sadd.s32 $0xF4C00, s0;
	s13 =	smul.u32 $0xF000, s16  }
0xb: {  	p0 =	seq.s32 s16, $0xF;
	_ =	strace $0x80000047;
	s9 =	smul.u32 $0x271000, s6  }
0xc: {  	[dreg:$0x4] =	wrdreg s7;
	s8 =	ssub.s32 $0x2, s6;
	s23 =	smul.u32 $0x1E0000, s6  }
0xd: {  	s6 =	sshllo.u32 s6, $0x1;
	[dreg:$0xf] =	wrdreg s15;
	s10 =	sshrl.u32 s8, $0x1  }
0xe: {  	s7 =	sshrl.u32 s22, $0x2;
	s6 =	smul.u32 $0x138800, s6;
	s8 =	ssub.s32 s8, s10  }
0xf: {  	s7 =	sadd.s32 s7, s2;
	s12 =	sadd.s32 s11, s9;
	s9 =	sshrl.u32 s9, $0x3  }
0x10: {  	s10 =	sadd.s32 s13, s23;
	s23 =	simm.s32 $0x2400;
	[dreg:$0x5] =	wrdreg s7  }
0x11: {  	s7 =	sadd.s32 $0x128400, s2;
	s12 =	sshrl.u32 s12, $0x3;
	s9 =	sadd.s32 s0, s9  }
0x12: {  	s24 =	sadd.s32 s11, s6;
	s6 =	sshrl.u32 s6, $0x3;
	s26 =	sshrl.u32 s10, $0x3  }
0x13: {  	s11 =	sadd.s32 $0xF0000, s10;
	s10 =	simm.s32 $0x600;
	s12 =	sadd.s32 s0, s12  }
0x14: {  	s9 =	sadd.s32 $0x25080, s9;
	s6 =	sadd.s32 s0, s6;
	s14 =	sadd.s32 s26, s5  }
0x15: {  	s13 =	sadd.s32 s26, s4;
	s26 =	simm.s32 $0x100;
	[dreg:$0x6] =	wrdreg s12  }
0x16: {  	[dreg:$0x7] =	wrdreg s9;
	s9 =	sshrl.u32 s24, $0x3;
	s25 =	sadd.s32 $0x25080, s6  }
0x17: {  	s12 =	sshrl.u32 s11, $0x3;
	s24 =	simm.s32 $0x80;
	s6 =	simm.s32 $0x280  }
0x18: {  	s11 =	simm.s32 $0x2;
	[dreg:$0xb] =	wrdreg s14;
	s0 =	sadd.s32 s0, s9  }
0x19: {  	[dreg:$0x9] =	wrdreg s25;
	s9 =	smax.u32 s8, $0x1;
	s5 =	sadd.s32 s12, s5  }
0x1a: {  	s22 =	sadd.s32 s12, s4;
	s25 =	simm.s32 $0x4000;
	[dreg:$0x8] =	wrdreg s0  }
0x1b: {  	s4 =	simm.s32 $0x1;
	s8 =	simm.s32 $0x500;
	[dreg:$0xa] =	wrdreg s9  }
0x1c: {  	[dreg:$0xc] =	wrdreg s5;
	s0 =	sshll.u32 @!p0 s16, $0x6;
	s16 =	sshrl.u32 @p0 s7, $0x3  }
0x1d: {  	s7 =	simm.s32 $0x480;
	s17 =	sor.u32 @!p0 $0x1C03, s0;
	[dreg:$0xd] =	wrdreg s16  }
0x1e: {  	s9 =	simm.s32 $0x580;
	s0 =	simm.s32 $0x9400;
	[dreg:$0xe] =	wrdreg s17  }
.LBB2_1:
0x1f: {  	s5 =	simm.s32 @p0 $0x1FC3;
	s12 =	rddreg [dreg:$0x4]  }
0x20: {  	[spmem:s16], [sflag:s5] =	dma.local @p0 [hbm:s12], $0x2080  }
0x21: {  	s5 =	simm.s32 @p0 $0x3  }
0x22: {  	_ =	swait.ge @p0 [sflag:s5], $0x2080  }
0x23: {  	[sflag:s5] =	ssyncset.done @p0 $0x0  }
0x24: {  	[sflag:s5] =	ssyncadd.s32 @p0 $0xFFFFDF80;
	s5 =	rddreg [dreg:$0x5]  }
0x25: {  	s5 =	sshrl.u32 @!p0 s5, $0x3  }
0x26: {  	[dreg:$0x10] =	wrdreg s5  }
0x27: {  	[spmem:s5], [sflag:s17] =	dma.local @!p0 [hbm:s12], $0x2780  }
0x28: {  	s5 =	simm.s32 @!p0 $0x3  }
0x29: {  	_ =	swait.ge @!p0 [sflag:s5], $0x2780  }
0x2a: {  	[sflag:s5] =	ssyncset.done @!p0 $0x0  }
0x2b: {  	[sflag:s5] =	ssyncadd.s32 @!p0 $0xFFFFD880  }
0x2c: {  	s15 =	sadd.s32 $0x0, s13;
	[bflag:$0x0] =	sbarrier.arrive $0xFFFF  }
0x2d: {  	[tilespmem:s3], [sflag:$0x3] =	stream.linear.gather [hbm4b:s15+s3], $0x300, $0x38;
	[tilespmem:$0x1E8C0] =	vst v63  }
0x2e: {  	_ =	swait.ge [sflag:s18], $0x300  }
0x2f: {  	[sflag:s18] =	ssyncset.done $0x0  }
0x30: {  	s16 =	sadd.s32 $0x0, s14;
	s17 =	simm.s32 $0x400;
	[sflag:s18] =	ssyncadd.s32 $0xFFFFFD00  }
0x31: {  	[tilespmem:s17], [sflag:$0x3] =	stream.linear.gather [hbm4b:s16+s3], $0x300, $0x38;
	[tilespmem:$0x1E8C0] =	vst v63  }
0x32: {  	_ =	swait.ge [sflag:s18], $0x300  }
0x33: {  	[sflag:s18] =	ssyncset.done $0x0  }
0x34: {  	[sflag:s18] =	ssyncadd.s32 $0xFFFFFD00  }
0x35: {  	[tilespmem:s21], [sflag:$0x1] =	stream.indirect.gather [hbm4b:s1+s20], $0x80, s3, s20, $0xb8;
	[tilespmem:$0x1E8C0] =	vst v63  }
0x36: {  	_ = 	snop  }
0x37: {  	[tilespmem:s23], [sflag:$0x1] =	stream.indirect.gather [hbm4b:s1+s20], $0x80, s24, s20, $0xb8;
	[tilespmem:$0x1E8C0] =	vst v63  }
0x38: {  	_ = 	snop  }
0x39: {  	[tilespmem:s25], [sflag:$0x1] =	stream.indirect.gather [hbm4b:s1+s20], $0x80, s26, s20, $0xb8;
	[tilespmem:$0x1E8C0] =	vst v63  }
0x3a: {  	_ = 	snop  }
0x3b: {  	[tilespmem:s28], [sflag:$0x1] =	stream.indirect.gather [hbm4b:s1+s20], $0x80, s29, s20, $0xb8;
	[tilespmem:$0x1E8C0] =	vst v63  }
0x3c: {  	_ = 	snop  }
0x3d: {  	[tilespmem:s30], [sflag:$0x1] =	stream.indirect.gather [hbm4b:s1+s20], $0x80, s31, s20, $0xb8;
	[tilespmem:$0x1E8C0] =	vst v63  }
0x3e: {  	_ = 	snop  }
0x3f: {  	[tilespmem:s0], [sflag:$0x1] =	stream.indirect.gather [hbm4b:s1+s20], $0x80, s6, s20, $0xb8;
	[tilespmem:$0x1E8C0] =	vst v63  }
0x40: {  	_ =	swait.ge [sflag:s4], $0x1C00  }
0x41: {  	[sflag:s4] =	ssyncset.done $0x0  }
0x42: {  	[sflag:s4] =	ssyncadd.s32 $0xFFFFE400  }
0x43: {  	_ =	swait.ge [sflag:s4], $0x1C00  }
0x44: {  	[sflag:s4] =	ssyncset.done $0x0  }
0x45: {  	[sflag:s4] =	ssyncadd.s32 $0xFFFFE400  }
0x46: {  	_ =	swait.ge [sflag:s4], $0x1C00  }
0x47: {  	[sflag:s4] =	ssyncset.done $0x0  }
0x48: {  	[sflag:s4] =	ssyncadd.s32 $0xFFFFE400  }
0x49: {  	[spmem:s2] =	stream.indirect.scatter.add.f32 [tilespmem:s21], [sflag:$0x2], $0x80, s17, s20, $0xb8;
	[tilespmem:$0x1E8C0] =	vst v63  }
0x4a: {  	_ = 	snop  }
0x4b: {  	[spmem:s2] =	stream.indirect.scatter.add.f32 [tilespmem:s23], [sflag:$0x2], $0x80, s7, s20, $0xb8;
	[tilespmem:$0x1E8C0] =	vst v63  }
0x4c: {  	_ = 	snop  }
0x4d: {  	[spmem:s2] =	stream.indirect.scatter.add.f32 [tilespmem:s25], [sflag:$0x2], $0x80, s8, s20, $0xb8;
	[tilespmem:$0x1E8C0] =	vst v63  }
0x4e: {  	_ =	swait.ge [sflag:s4], $0x1C00  }
0x4f: {  	[sflag:s4] =	ssyncset.done $0x0  }
0x50: {  	[sflag:s4] =	ssyncadd.s32 $0xFFFFE400  }
0x51: {  	_ =	swait.ge [sflag:s4], $0x1C00  }
0x52: {  	[sflag:s4] =	ssyncset.done $0x0  }
0x53: {  	[sflag:s4] =	ssyncadd.s32 $0xFFFFE400  }
0x54: {  	_ =	swait.ge [sflag:s4], $0x1C00  }
0x55: {  	[sflag:s4] =	ssyncset.done $0x0  }
0x56: {  	[sflag:s4] =	ssyncadd.s32 $0xFFFFE400  }
0x57: {  	[spmem:s2] =	stream.indirect.scatter.add.f32 [tilespmem:s28], [sflag:$0x2], $0x80, s9, s20, $0xb8;
	[tilespmem:$0x1E8C0] =	vst v63  }
0x58: {  	_ = 	snop  }
0x59: {  	[spmem:s2] =	stream.indirect.scatter.add.f32 [tilespmem:s30], [sflag:$0x2], $0x80, s10, s20, $0xb8;
	[tilespmem:$0x1E8C0] =	vst v63  }
0x5a: {  	_ = 	snop  }
0x5b: {  	[spmem:s2] =	stream.indirect.scatter.add.f32 [tilespmem:s0], [sflag:$0x2], $0x80, s19, s20, $0xb8;
	[tilespmem:$0x1E8C0] =	vst v63  }
0x5c: {  	_ =	swait.ge [sflag:s11], $0x1C00  }
0x5d: {  	[sflag:s11] =	ssyncset.done $0x0  }
0x5e: {  	[sflag:s11] =	ssyncadd.s32 $0xFFFFE400  }
0x5f: {  	_ =	swait.ge [sflag:s11], $0x1C00  }
0x60: {  	[sflag:s11] =	ssyncset.done $0x0  }
0x61: {  	[sflag:s11] =	ssyncadd.s32 $0xFFFFE400  }
0x62: {  	_ =	swait.ge [sflag:s11], $0x1C00  }
0x63: {  	[sflag:s11] =	ssyncset.done $0x0  }
0x64: {  	[sflag:s11] =	ssyncadd.s32 $0xFFFFE400  }
0x65: {  	_ =	swait.ge [sflag:s11], $0x1C00  }
0x66: {  	[sflag:s11] =	ssyncset.done $0x0  }
0x67: {  	[sflag:s11] =	ssyncadd.s32 $0xFFFFE400  }
0x68: {  	_ =	swait.ge [sflag:s11], $0x1C00  }
0x69: {  	[sflag:s11] =	ssyncset.done $0x0  }
0x6a: {  	[sflag:s11] =	ssyncadd.s32 $0xFFFFE400  }
0x6b: {  	_ =	swait.ge [sflag:s11], $0x1C00  }
0x6c: {  	s16 =	simm.s32 $0x100;
	s17 =	simm.s32 $0x80;
	[sflag:s11] =	ssyncset.done $0x0  }
.LBB2_2:
0x6d: {  	s12 =	sadd.s32 s17, s13;
	[sflag:s11] =	ssyncadd.s32 $0xFFFFE400  }
0x6e: {  	s15 =	smov.u32 s13;
	s13 =	smov.u32 s16;
	s5 =	sadd.s32 $0x80, s16  }
0x6f: {  	[tilespmem:s3], [sflag:$0x3] =	stream.linear.gather [hbm4b:s12+s3], $0x300, $0x38;
	[tilespmem:$0x1E8C0] =	vst v63  }
0x70: {  	p1 =	sne.s32 s16, $0x1D80;
	_ =	swait.ge [sflag:s18], $0x300  }
0x71: {  	s16 =	simm.s32 $0x400;
	s12 =	sadd.s32 s17, s14;
	[sflag:s18] =	ssyncset.done $0x0  }
0x72: {  	s17 =	smov.u32 s13;
	s13 =	smov.u32 s15;
	[sflag:s18] =	ssyncadd.s32 $0xFFFFFD00  }
0x73: {  	[tilespmem:s16], [sflag:$0x3] =	stream.linear.gather [hbm4b:s12+s3], $0x300, $0x38;
	[tilespmem:$0x1E8C0] =	vst v63  }
0x74: {  	_ =	swait.ge [sflag:s18], $0x300  }
0x75: {  	[sflag:s18] =	ssyncset.done $0x0  }
0x76: {  	[sflag:s18] =	ssyncadd.s32 $0xFFFFFD00  }
0x77: {  	[tilespmem:s21], [sflag:$0x1] =	stream.indirect.gather [hbm4b:s1+s20], $0x80, s3, s20, $0xb8;
	[tilespmem:$0x1E8C0] =	vst v63  }
0x78: {  	_ = 	snop  }
0x79: {  	[tilespmem:s23], [sflag:$0x1] =	stream.indirect.gather [hbm4b:s1+s20], $0x80, s24, s20, $0xb8;
	[tilespmem:$0x1E8C0] =	vst v63  }
0x7a: {  	_ = 	snop  }
0x7b: {  	[tilespmem:s25], [sflag:$0x1] =	stream.indirect.gather [hbm4b:s1+s20], $0x80, s26, s20, $0xb8;
	[tilespmem:$0x1E8C0] =	vst v63  }
0x7c: {  	_ = 	snop  }
0x7d: {  	[tilespmem:s28], [sflag:$0x1] =	stream.indirect.gather [hbm4b:s1+s20], $0x80, s29, s20, $0xb8;
	[tilespmem:$0x1E8C0] =	vst v63  }
0x7e: {  	_ = 	snop  }
0x7f: {  	[tilespmem:s30], [sflag:$0x1] =	stream.indirect.gather [hbm4b:s1+s20], $0x80, s31, s20, $0xb8;
	[tilespmem:$0x1E8C0] =	vst v63  }
0x80: {  	_ = 	snop  }
0x81: {  	[tilespmem:s0], [sflag:$0x1] =	stream.indirect.gather [hbm4b:s1+s20], $0x80, s6, s20, $0xb8;
	[tilespmem:$0x1E8C0] =	vst v63  }
0x82: {  	_ =	swait.ge [sflag:s4], $0x1C00  }
0x83: {  	[sflag:s4] =	ssyncset.done $0x0  }
0x84: {  	[sflag:s4] =	ssyncadd.s32 $0xFFFFE400  }
0x85: {  	_ =	swait.ge [sflag:s4], $0x1C00  }
0x86: {  	[sflag:s4] =	ssyncset.done $0x0  }
0x87: {  	[sflag:s4] =	ssyncadd.s32 $0xFFFFE400  }
0x88: {  	_ =	swait.ge [sflag:s4], $0x1C00  }
0x89: {  	[sflag:s4] =	ssyncset.done $0x0  }
0x8a: {  	[sflag:s4] =	ssyncadd.s32 $0xFFFFE400  }
0x8b: {  	[spmem:s2] =	stream.indirect.scatter.add.f32 [tilespmem:s21], [sflag:$0x2], $0x80, s16, s20, $0xb8;
	[tilespmem:$0x1E8C0] =	vst v63  }
0x8c: {  	_ = 	snop  }
0x8d: {  	[spmem:s2] =	stream.indirect.scatter.add.f32 [tilespmem:s23], [sflag:$0x2], $0x80, s7, s20, $0xb8;
	[tilespmem:$0x1E8C0] =	vst v63  }
0x8e: {  	_ = 	snop  }
0x8f: {  	[spmem:s2] =	stream.indirect.scatter.add.f32 [tilespmem:s25], [sflag:$0x2], $0x80, s8, s20, $0xb8;
	[tilespmem:$0x1E8C0] =	vst v63  }
0x90: {  	_ =	swait.ge [sflag:s4], $0x1C00  }
0x91: {  	[sflag:s4] =	ssyncset.done $0x0  }
0x92: {  	[sflag:s4] =	ssyncadd.s32 $0xFFFFE400  }
0x93: {  	_ =	swait.ge [sflag:s4], $0x1C00  }
0x94: {  	[sflag:s4] =	ssyncset.done $0x0  }
0x95: {  	[sflag:s4] =	ssyncadd.s32 $0xFFFFE400  }
0x96: {  	_ =	swait.ge [sflag:s4], $0x1C00  }
0x97: {  	[sflag:s4] =	ssyncset.done $0x0  }
0x98: {  	[sflag:s4] =	ssyncadd.s32 $0xFFFFE400  }
0x99: {  	[spmem:s2] =	stream.indirect.scatter.add.f32 [tilespmem:s28], [sflag:$0x2], $0x80, s9, s20, $0xb8;
	[tilespmem:$0x1E8C0] =	vst v63  }
0x9a: {  	_ = 	snop  }
0x9b: {  	[spmem:s2] =	stream.indirect.scatter.add.f32 [tilespmem:s30], [sflag:$0x2], $0x80, s10, s20, $0xb8;
	[tilespmem:$0x1E8C0] =	vst v63  }
0x9c: {  	_ = 	snop  }
0x9d: {  	[spmem:s2] =	stream.indirect.scatter.add.f32 [tilespmem:s0], [sflag:$0x2], $0x80, s19, s20, $0xb8;
	[tilespmem:$0x1E8C0] =	vst v63  }
0x9e: {  	_ =	swait.ge [sflag:s11], $0x1C00  }
0x9f: {  	[sflag:s11] =	ssyncset.done $0x0  }
0xa0: {  	[sflag:s11] =	ssyncadd.s32 $0xFFFFE400  }
0xa1: {  	_ =	swait.ge [sflag:s11], $0x1C00  }
0xa2: {  	[sflag:s11] =	ssyncset.done $0x0  }
0xa3: {  	[sflag:s11] =	ssyncadd.s32 $0xFFFFE400  }
0xa4: {  	_ =	swait.ge [sflag:s11], $0x1C00  }
0xa5: {  	[sflag:s11] =	ssyncset.done $0x0  }
0xa6: {  	[sflag:s11] =	ssyncadd.s32 $0xFFFFE400  }
0xa7: {  	_ =	swait.ge [sflag:s11], $0x1C00  }
0xa8: {  	[sflag:s11] =	ssyncset.done $0x0  }
0xa9: {  	[sflag:s11] =	ssyncadd.s32 $0xFFFFE400  }
.Ltmp0:
0xaa: {  	_ =	swait.ge [sflag:s11], $0x1C00;
	(pc) =	sbr.rel @p1 .LBB2_2-.Ltmp0, $4  }
0xab: {  	[sflag:s11] =	ssyncset.done $0x0  }
0xac: {  	[sflag:s11] =	ssyncadd.s32 $0xFFFFE400  }
0xad: {  	_ =	swait.ge [sflag:s11], $0x1C00  }
0xae: {  	s16 =	smov.u32 s5;
	[sflag:s11] =	ssyncset.done $0x0  }
0xaf: {  	s5 =	sadd.s32 s17, s13;
	[sflag:s11] =	ssyncadd.s32 $0xFFFFE400  }
0xb0: {  	[tilespmem:s3], [sflag:$0x3] =	stream.linear.gather [hbm4b:s5+s3], $0x300, $0x38;
	[tilespmem:$0x1E8C0] =	vst v63  }
0xb1: {  	_ =	swait.ge [sflag:s18], $0x300  }
0xb2: {  	[sflag:s18] =	ssyncset.done $0x0  }
0xb3: {  	s10 =	sadd.s32 s17, s14;
	s7 =	simm.s32 $0x400;
	[sflag:s18] =	ssyncadd.s32 $0xFFFFFD00  }
0xb4: {  	[tilespmem:s7], [sflag:$0x3] =	stream.linear.gather [hbm4b:s10+s3], $0x300, $0x38;
	[tilespmem:$0x1E8C0] =	vst v63  }
0xb5: {  	_ =	swait.ge [sflag:s18], $0x300  }
0xb6: {  	[sflag:s18] =	ssyncset.done $0x0  }
0xb7: {  	[sflag:s18] =	ssyncadd.s32 $0xFFFFFD00  }
0xb8: {  	[tilespmem:s21], [sflag:$0x1] =	stream.indirect.gather [hbm4b:s1+s20], $0x80, s3, s20, $0xb8;
	[tilespmem:$0x1E8C0] =	vst v63  }
0xb9: {  	s16 =	simm.s32 $0x80  }
0xba: {  	[tilespmem:s23], [sflag:$0x1] =	stream.indirect.gather [hbm4b:s1+s20], $0x80, s16, s20, $0xb8;
	[tilespmem:$0x1E8C0] =	vst v63  }
0xbb: {  	s17 =	simm.s32 $0x100  }
0xbc: {  	[tilespmem:s25], [sflag:$0x1] =	stream.indirect.gather [hbm4b:s1+s20], $0x80, s17, s20, $0xb8;
	[tilespmem:$0x1E8C0] =	vst v63  }
0xbd: {  	s8 =	simm.s32 $0x180  }
0xbe: {  	[tilespmem:s28], [sflag:$0x1] =	stream.indirect.gather [hbm4b:s1+s20], $0x80, s8, s20, $0xb8;
	[tilespmem:$0x1E8C0] =	vst v63  }
0xbf: {  	s9 =	simm.s32 $0x200  }
0xc0: {  	[tilespmem:s30], [sflag:$0x1] =	stream.indirect.gather [hbm4b:s1+s20], $0x80, s9, s20, $0xb8;
	[tilespmem:$0x1E8C0] =	vst v63  }
0xc1: {  	s10 =	simm.s32 $0x280  }
0xc2: {  	[tilespmem:s0], [sflag:$0x1] =	stream.indirect.gather [hbm4b:s1+s20], $0x80, s10, s20, $0xb8;
	[tilespmem:$0x1E8C0] =	vst v63  }
0xc3: {  	_ =	swait.ge [sflag:s4], $0x1C00  }
0xc4: {  	[sflag:s4] =	ssyncset.done $0x0  }
0xc5: {  	[sflag:s4] =	ssyncadd.s32 $0xFFFFE400  }
0xc6: {  	_ =	swait.ge [sflag:s4], $0x1C00  }
0xc7: {  	[sflag:s4] =	ssyncset.done $0x0  }
0xc8: {  	[sflag:s4] =	ssyncadd.s32 $0xFFFFE400  }
0xc9: {  	_ =	swait.ge [sflag:s4], $0x1C00  }
0xca: {  	[sflag:s4] =	ssyncset.done $0x0  }
0xcb: {  	[sflag:s4] =	ssyncadd.s32 $0xFFFFE400  }
0xcc: {  	[spmem:s2] =	stream.indirect.scatter.add.f32 [tilespmem:s21], [sflag:$0x2], $0x80, s7, s20, $0xb8;
	[tilespmem:$0x1E8C0] =	vst v63  }
0xcd: {  	s19 =	simm.s32 $0x480  }
0xce: {  	[spmem:s2] =	stream.indirect.scatter.add.f32 [tilespmem:s23], [sflag:$0x2], $0x80, s19, s20, $0xb8;
	[tilespmem:$0x1E8C0] =	vst v63  }
0xcf: {  	s12 =	simm.s32 $0x500  }
0xd0: {  	[spmem:s2] =	stream.indirect.scatter.add.f32 [tilespmem:s25], [sflag:$0x2], $0x80, s12, s20, $0xb8;
	[tilespmem:$0x1E8C0] =	vst v63  }
0xd1: {  	_ =	swait.ge [sflag:s4], $0x1C00  }
0xd2: {  	[sflag:s4] =	ssyncset.done $0x0  }
0xd3: {  	[sflag:s4] =	ssyncadd.s32 $0xFFFFE400  }
0xd4: {  	_ =	swait.ge [sflag:s4], $0x1C00  }
0xd5: {  	[sflag:s4] =	ssyncset.done $0x0  }
0xd6: {  	[sflag:s4] =	ssyncadd.s32 $0xFFFFE400  }
0xd7: {  	_ =	swait.ge [sflag:s4], $0x1C00  }
0xd8: {  	[sflag:s4] =	ssyncset.done $0x0  }
0xd9: {  	s13 =	simm.s32 $0x580;
	[sflag:s4] =	ssyncadd.s32 $0xFFFFE400  }
0xda: {  	[spmem:s2] =	stream.indirect.scatter.add.f32 [tilespmem:s28], [sflag:$0x2], $0x80, s13, s20, $0xb8;
	[tilespmem:$0x1E8C0] =	vst v63  }
0xdb: {  	s14 =	simm.s32 $0x600  }
0xdc: {  	[spmem:s2] =	stream.indirect.scatter.add.f32 [tilespmem:s30], [sflag:$0x2], $0x80, s14, s20, $0xb8;
	[tilespmem:$0x1E8C0] =	vst v63  }
0xdd: {  	s24 =	simm.s32 $0x680  }
0xde: {  	[spmem:s2] =	stream.indirect.scatter.add.f32 [tilespmem:s0], [sflag:$0x2], $0x80, s24, s20, $0xb8;
	[tilespmem:$0x1E8C0] =	vst v63  }
0xdf: {  	_ =	swait.ge [sflag:s11], $0x1C00  }
0xe0: {  	[sflag:s11] =	ssyncset.done $0x0  }
0xe1: {  	[sflag:s11] =	ssyncadd.s32 $0xFFFFE400  }
0xe2: {  	_ =	swait.ge [sflag:s11], $0x1C00  }
0xe3: {  	[sflag:s11] =	ssyncset.done $0x0  }
0xe4: {  	[sflag:s11] =	ssyncadd.s32 $0xFFFFE400  }
0xe5: {  	_ =	swait.ge [sflag:s11], $0x1C00  }
0xe6: {  	[sflag:s11] =	ssyncset.done $0x0  }
0xe7: {  	[sflag:s11] =	ssyncadd.s32 $0xFFFFE400  }
0xe8: {  	_ =	swait.ge [sflag:s11], $0x1C00  }
0xe9: {  	[sflag:s11] =	ssyncset.done $0x0  }
0xea: {  	[sflag:s11] =	ssyncadd.s32 $0xFFFFE400  }
0xeb: {  	_ =	swait.ge [sflag:s11], $0x1C00  }
0xec: {  	[sflag:s11] =	ssyncset.done $0x0  }
0xed: {  	[sflag:s11] =	ssyncadd.s32 $0xFFFFE400  }
0xee: {  	_ =	swait.ge [sflag:s11], $0x1C00  }
0xef: {  	[sflag:s11] =	ssyncset.done $0x0  }
0xf0: {  	[sflag:s11] =	ssyncadd.s32 $0xFFFFE400  }
0xf1: {  	[bflag:$0x0] =	sbarrier.arrive $0xFFFF  }
0xf2: {  	s12 =	rddreg [dreg:$0x7]  }
0xf3: {  	s5 =	simm.s32 @p0 $0x1FC3;
	s14 =	rddreg [dreg:$0xd]  }
0xf4: {  	[hbm:s12], [sflag:s5] =	dma.local @p0 [spmem:s14], $0x2080  }
0xf5: {  	s12 =	simm.s32 @p0 $0x3  }
0xf6: {  	_ =	swait.ge @p0 [sflag:s12], $0x2080  }
0xf7: {  	[sflag:s12] =	ssyncset.done @p0 $0x0  }
0xf8: {  	s13 =	rddreg [dreg:$0x4];
	[sflag:s12] =	ssyncadd.s32 @p0 $0xFFFFDF80  }
0xf9: {  	[spmem:s14], [sflag:s5] =	dma.local @p0 [hbm:s13], $0x2080  }
0xfa: {  	_ =	swait.ge @p0 [sflag:s12], $0x2080  }
0xfb: {  	s5 =	rddreg [dreg:$0x6]  }
0xfc: {  	[sflag:s12] =	ssyncset.done @p0 $0x0;
	s6 =	rddreg [dreg:$0x10]  }
0xfd: {  	[sflag:s12] =	ssyncadd.s32 @p0 $0xFFFFDF80;
	s12 =	rddreg [dreg:$0xe]  }
0xfe: {  	[hbm:s5], [sflag:s12] =	dma.local @!p0 [spmem:s6], $0x2780  }
0xff: {  	s5 =	simm.s32 @!p0 $0x3  }
0x100: {  	_ =	swait.ge @!p0 [sflag:s5], $0x2780  }
0x101: {  	[sflag:s5] =	ssyncset.done @!p0 $0x0  }
0x102: {  	[sflag:s5] =	ssyncadd.s32 @!p0 $0xFFFFD880  }
0x103: {  	[spmem:s6], [sflag:s12] =	dma.local @!p0 [hbm:s13], $0x2780  }
0x104: {  	_ =	swait.ge @!p0 [sflag:s5], $0x2780  }
0x105: {  	[sflag:s5] =	ssyncset.done @!p0 $0x0  }
0x106: {  	[sflag:s5] =	ssyncadd.s32 @!p0 $0xFFFFD880  }
0x107: {  	s26 =	sadd.s32 $0x0, s22;
	[bflag:$0x0] =	sbarrier.arrive $0xFFFF  }
0x108: {  	[tilespmem:s3], [sflag:$0x3] =	stream.linear.gather [hbm4b:s26+s3], $0x300, $0x38;
	[tilespmem:$0x1E8C0] =	vst v63  }
0x109: {  	_ =	swait.ge [sflag:s18], $0x300  }
0x10a: {  	[sflag:s18] =	ssyncset.done $0x0;
	s14 =	rddreg [dreg:$0xc]  }
0x10b: {  	[sflag:s18] =	ssyncadd.s32 $0xFFFFFD00;
	s6 =	sadd.s32 $0x0, s14  }
0x10c: {  	[tilespmem:s7], [sflag:$0x3] =	stream.linear.gather [hbm4b:s6+s3], $0x300, $0x38;
	[tilespmem:$0x1E8C0] =	vst v63  }
0x10d: {  	_ =	swait.ge [sflag:s18], $0x300  }
0x10e: {  	[sflag:s18] =	ssyncset.done $0x0  }
0x10f: {  	[sflag:s18] =	ssyncadd.s32 $0xFFFFFD00  }
0x110: {  	[tilespmem:s21], [sflag:$0x1] =	stream.indirect.gather [hbm4b:s1+s20], $0x80, s3, s20, $0xb8;
	[tilespmem:$0x1E8C0] =	vst v63  }
0x111: {  	_ = 	snop  }
0x112: {  	[tilespmem:s23], [sflag:$0x1] =	stream.indirect.gather [hbm4b:s1+s20], $0x80, s16, s20, $0xb8;
	[tilespmem:$0x1E8C0] =	vst v63  }
0x113: {  	_ = 	snop  }
0x114: {  	[tilespmem:s25], [sflag:$0x1] =	stream.indirect.gather [hbm4b:s1+s20], $0x80, s17, s20, $0xb8;
	[tilespmem:$0x1E8C0] =	vst v63  }
0x115: {  	_ = 	snop  }
0x116: {  	[tilespmem:s28], [sflag:$0x1] =	stream.indirect.gather [hbm4b:s1+s20], $0x80, s8, s20, $0xb8;
	[tilespmem:$0x1E8C0] =	vst v63  }
0x117: {  	_ = 	snop  }
0x118: {  	[tilespmem:s30], [sflag:$0x1] =	stream.indirect.gather [hbm4b:s1+s20], $0x80, s9, s20, $0xb8;
	[tilespmem:$0x1E8C0] =	vst v63  }
0x119: {  	_ = 	snop  }
0x11a: {  	[tilespmem:s0], [sflag:$0x1] =	stream.indirect.gather [hbm4b:s1+s20], $0x80, s10, s20, $0xb8;
	[tilespmem:$0x1E8C0] =	vst v63  }
0x11b: {  	_ =	swait.ge [sflag:s4], $0x1C00  }
0x11c: {  	[sflag:s4] =	ssyncset.done $0x0  }
0x11d: {  	[sflag:s4] =	ssyncadd.s32 $0xFFFFE400  }
0x11e: {  	_ =	swait.ge [sflag:s4], $0x1C00  }
0x11f: {  	[sflag:s4] =	ssyncset.done $0x0  }
0x120: {  	[sflag:s4] =	ssyncadd.s32 $0xFFFFE400  }
0x121: {  	_ =	swait.ge [sflag:s4], $0x1C00  }
0x122: {  	[sflag:s4] =	ssyncset.done $0x0  }
0x123: {  	[sflag:s4] =	ssyncadd.s32 $0xFFFFE400  }
0x124: {  	[spmem:s2] =	stream.indirect.scatter.add.f32 [tilespmem:s21], [sflag:$0x2], $0x80, s7, s20, $0xb8;
	[tilespmem:$0x1E8C0] =	vst v63  }
0x125: {  	_ = 	snop  }
0x126: {  	[spmem:s2] =	stream.indirect.scatter.add.f32 [tilespmem:s23], [sflag:$0x2], $0x80, s19, s20, $0xb8;
	[tilespmem:$0x1E8C0] =	vst v63  }
0x127: {  	s12 =	simm.s32 $0x500  }
0x128: {  	[spmem:s2] =	stream.indirect.scatter.add.f32 [tilespmem:s25], [sflag:$0x2], $0x80, s12, s20, $0xb8;
	[tilespmem:$0x1E8C0] =	vst v63  }
0x129: {  	_ =	swait.ge [sflag:s4], $0x1C00  }
0x12a: {  	[sflag:s4] =	ssyncset.done $0x0  }
0x12b: {  	[sflag:s4] =	ssyncadd.s32 $0xFFFFE400  }
0x12c: {  	_ =	swait.ge [sflag:s4], $0x1C00  }
0x12d: {  	[sflag:s4] =	ssyncset.done $0x0  }
0x12e: {  	[sflag:s4] =	ssyncadd.s32 $0xFFFFE400  }
0x12f: {  	_ =	swait.ge [sflag:s4], $0x1C00  }
0x130: {  	[sflag:s4] =	ssyncset.done $0x0  }
0x131: {  	s13 =	simm.s32 $0x580;
	[sflag:s4] =	ssyncadd.s32 $0xFFFFE400  }
0x132: {  	[spmem:s2] =	stream.indirect.scatter.add.f32 [tilespmem:s28], [sflag:$0x2], $0x80, s13, s20, $0xb8;
	[tilespmem:$0x1E8C0] =	vst v63  }
0x133: {  	s16 =	simm.s32 $0x600  }
0x134: {  	[spmem:s2] =	stream.indirect.scatter.add.f32 [tilespmem:s30], [sflag:$0x2], $0x80, s16, s20, $0xb8;
	[tilespmem:$0x1E8C0] =	vst v63  }
0x135: {  	s17 =	simm.s32 $0x680  }
0x136: {  	[spmem:s2] =	stream.indirect.scatter.add.f32 [tilespmem:s0], [sflag:$0x2], $0x80, s17, s20, $0xb8;
	[tilespmem:$0x1E8C0] =	vst v63  }
0x137: {  	_ =	swait.ge [sflag:s11], $0x1C00  }
0x138: {  	[sflag:s11] =	ssyncset.done $0x0  }
0x139: {  	[sflag:s11] =	ssyncadd.s32 $0xFFFFE400  }
0x13a: {  	_ =	swait.ge [sflag:s11], $0x1C00  }
0x13b: {  	[sflag:s11] =	ssyncset.done $0x0  }
0x13c: {  	[sflag:s11] =	ssyncadd.s32 $0xFFFFE400  }
0x13d: {  	_ =	swait.ge [sflag:s11], $0x1C00  }
0x13e: {  	[sflag:s11] =	ssyncset.done $0x0  }
0x13f: {  	[sflag:s11] =	ssyncadd.s32 $0xFFFFE400  }
0x140: {  	_ =	swait.ge [sflag:s11], $0x1C00  }
0x141: {  	[sflag:s11] =	ssyncset.done $0x0  }
0x142: {  	s29 =	simm.s32 $0x180;
	s31 =	simm.s32 $0x200;
	[sflag:s11] =	ssyncadd.s32 $0xFFFFE400  }
0x143: {  	s24 =	simm.s32 $0x80;
	s5 =	simm.s32 $0x100;
	_ =	swait.ge [sflag:s11], $0x1C00  }
0x144: {  	s26 =	simm.s32 $0x100;
	s6 =	simm.s32 $0x280;
	[sflag:s11] =	ssyncset.done $0x0  }
0x145: {  	s8 =	simm.s32 $0x500;
	s9 =	simm.s32 $0x580;
	[sflag:s11] =	ssyncadd.s32 $0xFFFFE400  }
0x146: {  	s10 =	simm.s32 $0x600;
	s7 =	simm.s32 $0x480;
	_ =	swait.ge [sflag:s11], $0x1C00  }
0x147: {  	s19 =	simm.s32 $0x680;
	s17 =	simm.s32 $0x80;
	[sflag:s11] =	ssyncset.done $0x0  }
.LBB2_4:
0x148: {  	s12 =	sadd.s32 s17, s22  }
0x149: {  	[sflag:s11] =	ssyncadd.s32 $0xFFFFE400;
	s13 =	smov.u32 s5;
	s16 =	sadd.s32 $0x80, s5  }
0x14a: {  	[tilespmem:s3], [sflag:$0x3] =	stream.linear.gather [hbm4b:s12+s3], $0x300, $0x38;
	[tilespmem:$0x1E8C0] =	vst v63  }
0x14b: {  	p1 =	sne.s32 s5, $0x1D80;
	_ =	swait.ge [sflag:s18], $0x300  }
0x14c: {  	s5 =	sadd.s32 s17, s14;
	[sflag:s18] =	ssyncset.done $0x0  }
0x14d: {  	s17 =	smov.u32 s13;
	s13 =	simm.s32 $0x400;
	[sflag:s18] =	ssyncadd.s32 $0xFFFFFD00  }
0x14e: {  	[tilespmem:s13], [sflag:$0x3] =	stream.linear.gather [hbm4b:s5+s3], $0x300, $0x38;
	[tilespmem:$0x1E8C0] =	vst v63  }
0x14f: {  	_ =	swait.ge [sflag:s18], $0x300  }
0x150: {  	[sflag:s18] =	ssyncset.done $0x0  }
0x151: {  	[sflag:s18] =	ssyncadd.s32 $0xFFFFFD00  }
0x152: {  	[tilespmem:s21], [sflag:$0x1] =	stream.indirect.gather [hbm4b:s1+s20], $0x80, s3, s20, $0xb8;
	[tilespmem:$0x1E8C0] =	vst v63  }
0x153: {  	_ = 	snop  }
0x154: {  	[tilespmem:s23], [sflag:$0x1] =	stream.indirect.gather [hbm4b:s1+s20], $0x80, s24, s20, $0xb8;
	[tilespmem:$0x1E8C0] =	vst v63  }
0x155: {  	_ = 	snop  }
0x156: {  	[tilespmem:s25], [sflag:$0x1] =	stream.indirect.gather [hbm4b:s1+s20], $0x80, s26, s20, $0xb8;
	[tilespmem:$0x1E8C0] =	vst v63  }
0x157: {  	_ = 	snop  }
0x158: {  	[tilespmem:s28], [sflag:$0x1] =	stream.indirect.gather [hbm4b:s1+s20], $0x80, s29, s20, $0xb8;
	[tilespmem:$0x1E8C0] =	vst v63  }
0x159: {  	_ = 	snop  }
0x15a: {  	[tilespmem:s30], [sflag:$0x1] =	stream.indirect.gather [hbm4b:s1+s20], $0x80, s31, s20, $0xb8;
	[tilespmem:$0x1E8C0] =	vst v63  }
0x15b: {  	_ = 	snop  }
0x15c: {  	[tilespmem:s0], [sflag:$0x1] =	stream.indirect.gather [hbm4b:s1+s20], $0x80, s6, s20, $0xb8;
	[tilespmem:$0x1E8C0] =	vst v63  }
0x15d: {  	_ =	swait.ge [sflag:s4], $0x1C00  }
0x15e: {  	[sflag:s4] =	ssyncset.done $0x0  }
0x15f: {  	[sflag:s4] =	ssyncadd.s32 $0xFFFFE400  }
0x160: {  	_ =	swait.ge [sflag:s4], $0x1C00  }
0x161: {  	[sflag:s4] =	ssyncset.done $0x0  }
0x162: {  	[sflag:s4] =	ssyncadd.s32 $0xFFFFE400  }
0x163: {  	_ =	swait.ge [sflag:s4], $0x1C00  }
0x164: {  	[sflag:s4] =	ssyncset.done $0x0  }
0x165: {  	[sflag:s4] =	ssyncadd.s32 $0xFFFFE400  }
0x166: {  	[spmem:s2] =	stream.indirect.scatter.add.f32 [tilespmem:s21], [sflag:$0x2], $0x80, s13, s20, $0xb8;
	[tilespmem:$0x1E8C0] =	vst v63  }
0x167: {  	_ = 	snop  }
0x168: {  	[spmem:s2] =	stream.indirect.scatter.add.f32 [tilespmem:s23], [sflag:$0x2], $0x80, s7, s20, $0xb8;
	[tilespmem:$0x1E8C0] =	vst v63  }
0x169: {  	_ = 	snop  }
0x16a: {  	[spmem:s2] =	stream.indirect.scatter.add.f32 [tilespmem:s25], [sflag:$0x2], $0x80, s8, s20, $0xb8;
	[tilespmem:$0x1E8C0] =	vst v63  }
0x16b: {  	_ =	swait.ge [sflag:s4], $0x1C00  }
0x16c: {  	[sflag:s4] =	ssyncset.done $0x0  }
0x16d: {  	[sflag:s4] =	ssyncadd.s32 $0xFFFFE400  }
0x16e: {  	_ =	swait.ge [sflag:s4], $0x1C00  }
0x16f: {  	[sflag:s4] =	ssyncset.done $0x0  }
0x170: {  	[sflag:s4] =	ssyncadd.s32 $0xFFFFE400  }
0x171: {  	_ =	swait.ge [sflag:s4], $0x1C00  }
0x172: {  	[sflag:s4] =	ssyncset.done $0x0  }
0x173: {  	[sflag:s4] =	ssyncadd.s32 $0xFFFFE400  }
0x174: {  	[spmem:s2] =	stream.indirect.scatter.add.f32 [tilespmem:s28], [sflag:$0x2], $0x80, s9, s20, $0xb8;
	[tilespmem:$0x1E8C0] =	vst v63  }
0x175: {  	_ = 	snop  }
0x176: {  	[spmem:s2] =	stream.indirect.scatter.add.f32 [tilespmem:s30], [sflag:$0x2], $0x80, s10, s20, $0xb8;
	[tilespmem:$0x1E8C0] =	vst v63  }
0x177: {  	_ = 	snop  }
0x178: {  	[spmem:s2] =	stream.indirect.scatter.add.f32 [tilespmem:s0], [sflag:$0x2], $0x80, s19, s20, $0xb8;
	[tilespmem:$0x1E8C0] =	vst v63  }
0x179: {  	_ =	swait.ge [sflag:s11], $0x1C00  }
0x17a: {  	[sflag:s11] =	ssyncset.done $0x0  }
0x17b: {  	[sflag:s11] =	ssyncadd.s32 $0xFFFFE400  }
0x17c: {  	_ =	swait.ge [sflag:s11], $0x1C00  }
0x17d: {  	[sflag:s11] =	ssyncset.done $0x0  }
0x17e: {  	[sflag:s11] =	ssyncadd.s32 $0xFFFFE400  }
0x17f: {  	_ =	swait.ge [sflag:s11], $0x1C00  }
0x180: {  	[sflag:s11] =	ssyncset.done $0x0  }
0x181: {  	[sflag:s11] =	ssyncadd.s32 $0xFFFFE400  }
0x182: {  	_ =	swait.ge [sflag:s11], $0x1C00  }
0x183: {  	[sflag:s11] =	ssyncset.done $0x0  }
0x184: {  	[sflag:s11] =	ssyncadd.s32 $0xFFFFE400  }
.Ltmp1:
0x185: {  	_ =	swait.ge [sflag:s11], $0x1C00;
	(pc) =	sbr.rel @p1 .LBB2_4-.Ltmp1, $4  }
0x186: {  	[sflag:s11] =	ssyncset.done $0x0  }
0x187: {  	[sflag:s11] =	ssyncadd.s32 $0xFFFFE400  }
0x188: {  	_ =	swait.ge [sflag:s11], $0x1C00  }
0x189: {  	s5 =	smov.u32 s16;
	[sflag:s11] =	ssyncset.done $0x0  }
0x18a: {  	s5 =	sadd.s32 s17, s22;
	[sflag:s11] =	ssyncadd.s32 $0xFFFFE400  }
0x18b: {  	[tilespmem:s3], [sflag:$0x3] =	stream.linear.gather [hbm4b:s5+s3], $0x300, $0x38;
	[tilespmem:$0x1E8C0] =	vst v63  }
0x18c: {  	_ =	swait.ge [sflag:s18], $0x300  }
0x18d: {  	[sflag:s18] =	ssyncset.done $0x0  }
0x18e: {  	s13 =	sadd.s32 s17, s14;
	s12 =	simm.s32 $0x400;
	[sflag:s18] =	ssyncadd.s32 $0xFFFFFD00  }
0x18f: {  	[tilespmem:s12], [sflag:$0x3] =	stream.linear.gather [hbm4b:s13+s3], $0x300, $0x38;
	[tilespmem:$0x1E8C0] =	vst v63  }
0x190: {  	_ =	swait.ge [sflag:s18], $0x300  }
0x191: {  	[sflag:s18] =	ssyncset.done $0x0  }
0x192: {  	[sflag:s18] =	ssyncadd.s32 $0xFFFFFD00  }
0x193: {  	[tilespmem:s21], [sflag:$0x1] =	stream.indirect.gather [hbm4b:s1+s20], $0x80, s3, s20, $0xb8;
	[tilespmem:$0x1E8C0] =	vst v63  }
0x194: {  	_ = 	snop  }
0x195: {  	[tilespmem:s23], [sflag:$0x1] =	stream.indirect.gather [hbm4b:s1+s20], $0x80, s24, s20, $0xb8;
	[tilespmem:$0x1E8C0] =	vst v63  }
0x196: {  	_ = 	snop  }
0x197: {  	[tilespmem:s25], [sflag:$0x1] =	stream.indirect.gather [hbm4b:s1+s20], $0x80, s26, s20, $0xb8;
	[tilespmem:$0x1E8C0] =	vst v63  }
0x198: {  	_ = 	snop  }
0x199: {  	[tilespmem:s28], [sflag:$0x1] =	stream.indirect.gather [hbm4b:s1+s20], $0x80, s29, s20, $0xb8;
	[tilespmem:$0x1E8C0] =	vst v63  }
0x19a: {  	_ = 	snop  }
0x19b: {  	[tilespmem:s30], [sflag:$0x1] =	stream.indirect.gather [hbm4b:s1+s20], $0x80, s31, s20, $0xb8;
	[tilespmem:$0x1E8C0] =	vst v63  }
0x19c: {  	_ = 	snop  }
0x19d: {  	[tilespmem:s0], [sflag:$0x1] =	stream.indirect.gather [hbm4b:s1+s20], $0x80, s6, s20, $0xb8;
	[tilespmem:$0x1E8C0] =	vst v63  }
0x19e: {  	_ =	swait.ge [sflag:s4], $0x1C00  }
0x19f: {  	[sflag:s4] =	ssyncset.done $0x0  }
0x1a0: {  	[sflag:s4] =	ssyncadd.s32 $0xFFFFE400  }
0x1a1: {  	_ =	swait.ge [sflag:s4], $0x1C00  }
0x1a2: {  	[sflag:s4] =	ssyncset.done $0x0  }
0x1a3: {  	[sflag:s4] =	ssyncadd.s32 $0xFFFFE400  }
0x1a4: {  	_ =	swait.ge [sflag:s4], $0x1C00  }
0x1a5: {  	[sflag:s4] =	ssyncset.done $0x0  }
0x1a6: {  	[sflag:s4] =	ssyncadd.s32 $0xFFFFE400  }
0x1a7: {  	[spmem:s2] =	stream.indirect.scatter.add.f32 [tilespmem:s21], [sflag:$0x2], $0x80, s12, s20, $0xb8;
	[tilespmem:$0x1E8C0] =	vst v63  }
0x1a8: {  	_ = 	snop  }
0x1a9: {  	[spmem:s2] =	stream.indirect.scatter.add.f32 [tilespmem:s23], [sflag:$0x2], $0x80, s7, s20, $0xb8;
	[tilespmem:$0x1E8C0] =	vst v63  }
0x1aa: {  	_ = 	snop  }
0x1ab: {  	[spmem:s2] =	stream.indirect.scatter.add.f32 [tilespmem:s25], [sflag:$0x2], $0x80, s8, s20, $0xb8;
	[tilespmem:$0x1E8C0] =	vst v63  }
0x1ac: {  	_ =	swait.ge [sflag:s4], $0x1C00  }
0x1ad: {  	[sflag:s4] =	ssyncset.done $0x0  }
0x1ae: {  	[sflag:s4] =	ssyncadd.s32 $0xFFFFE400  }
0x1af: {  	_ =	swait.ge [sflag:s4], $0x1C00  }
0x1b0: {  	[sflag:s4] =	ssyncset.done $0x0  }
0x1b1: {  	[sflag:s4] =	ssyncadd.s32 $0xFFFFE400  }
0x1b2: {  	_ =	swait.ge [sflag:s4], $0x1C00  }
0x1b3: {  	[sflag:s4] =	ssyncset.done $0x0  }
0x1b4: {  	[sflag:s4] =	ssyncadd.s32 $0xFFFFE400  }
0x1b5: {  	[spmem:s2] =	stream.indirect.scatter.add.f32 [tilespmem:s28], [sflag:$0x2], $0x80, s9, s20, $0xb8;
	[tilespmem:$0x1E8C0] =	vst v63  }
0x1b6: {  	_ = 	snop  }
0x1b7: {  	[spmem:s2] =	stream.indirect.scatter.add.f32 [tilespmem:s30], [sflag:$0x2], $0x80, s10, s20, $0xb8;
	[tilespmem:$0x1E8C0] =	vst v63  }
0x1b8: {  	_ = 	snop  }
0x1b9: {  	[spmem:s2] =	stream.indirect.scatter.add.f32 [tilespmem:s0], [sflag:$0x2], $0x80, s19, s20, $0xb8;
	[tilespmem:$0x1E8C0] =	vst v63  }
0x1ba: {  	_ =	swait.ge [sflag:s11], $0x1C00  }
0x1bb: {  	[sflag:s11] =	ssyncset.done $0x0  }
0x1bc: {  	[sflag:s11] =	ssyncadd.s32 $0xFFFFE400  }
0x1bd: {  	_ =	swait.ge [sflag:s11], $0x1C00  }
0x1be: {  	[sflag:s11] =	ssyncset.done $0x0  }
0x1bf: {  	[sflag:s11] =	ssyncadd.s32 $0xFFFFE400  }
0x1c0: {  	_ =	swait.ge [sflag:s11], $0x1C00  }
0x1c1: {  	[sflag:s11] =	ssyncset.done $0x0  }
0x1c2: {  	[sflag:s11] =	ssyncadd.s32 $0xFFFFE400  }
0x1c3: {  	_ =	swait.ge [sflag:s11], $0x1C00  }
0x1c4: {  	[sflag:s11] =	ssyncset.done $0x0  }
0x1c5: {  	[sflag:s11] =	ssyncadd.s32 $0xFFFFE400  }
0x1c6: {  	_ =	swait.ge [sflag:s11], $0x1C00  }
0x1c7: {  	[sflag:s11] =	ssyncset.done $0x0  }
0x1c8: {  	[sflag:s11] =	ssyncadd.s32 $0xFFFFE400  }
0x1c9: {  	_ =	swait.ge [sflag:s11], $0x1C00  }
0x1ca: {  	[sflag:s11] =	ssyncset.done $0x0  }
0x1cb: {  	[sflag:s11] =	ssyncadd.s32 $0xFFFFE400  }
0x1cc: {  	[bflag:$0x0] =	sbarrier.arrive $0xFFFF  }
0x1cd: {  	s12 =	rddreg [dreg:$0x9]  }
0x1ce: {  	s5 =	simm.s32 @p0 $0x1FC3;
	s16 =	rddreg [dreg:$0xd]  }
0x1cf: {  	[hbm:s12], [sflag:s5] =	dma.local @p0 [spmem:s16], $0x2080  }
0x1d0: {  	s5 =	simm.s32 @p0 $0x3  }
0x1d1: {  	_ =	swait.ge @p0 [sflag:s5], $0x2080  }
0x1d2: {  	s17 =	rddreg [dreg:$0xe]  }
0x1d3: {  	[sflag:s5] =	ssyncset.done @p0 $0x0;
	s12 =	rddreg [dreg:$0x10]  }
0x1d4: {  	[sflag:s5] =	ssyncadd.s32 @p0 $0xFFFFDF80;
	s5 =	rddreg [dreg:$0x8]  }
0x1d5: {  	[hbm:s5], [sflag:s17] =	dma.local @!p0 [spmem:s12], $0x2780  }
0x1d6: {  	s5 =	simm.s32 @!p0 $0x3  }
0x1d7: {  	_ =	swait.ge @!p0 [sflag:s5], $0x2780  }
0x1d8: {  	s13 =	rddreg [dreg:$0xf]  }
0x1d9: {  	s14 =	rddreg [dreg:$0xa];
	s13 =	sadd.s32 $0x1, s13  }
0x1da: {  	p1 =	sne.s32 s13, s14  }
.Ltmp2:
0x1db: {  	_ = 	snop;
	(pc) =	sbr.rel @p1 .LBB2_1-.Ltmp2, $3  }
0x1dc: {  	_ =	sdelay $0x1  }
0x1dd: {  	[sflag:s5] =	ssyncset.done @!p0 $0x0;
	[dreg:$0xf] =	wrdreg s13  }
0x1de: {  	[sflag:s5] =	ssyncadd.s32 @!p0 $0xFFFFD880;
	s14 =	rddreg [dreg:$0xb];
	s13 =	smov.u32 s15  }
0x1df: {  	_ =	sfence.sel $0x180000  }
0x1e0: {  	[bflag:$0x0] =	sbarrier.arrive $0xFFFF  }
0x1e1: {  	_ =	strace $0x90000047  }
0x1e2: {  	s0 =	stileid.u32;
	[bflag:$0x2] =	sbarrier.arrive $0xFFFF  }
0x1e3: {  	p0 =	sne.s32 s0, $0x0;
	s0 =	rddreg [dreg:$0x3]  }
0x1e4: {  	s0 =	sadd.s32 @!p0 $0x100000, s0  }
0x1e5: {  	[sflag:s0] =	ssyncadd.tile.s32 @!p0 $0x1;
	_ =	shalt  }
.Lfunc_end2:
_tile_overlayer_lowered:
.L_overlay_start_2:
0x1e6: {  	(tag) =	ssettag $0x2  }
0x1e7: {  	s0 =	rddreg [dreg:$0x0];
	s2 =	stileid.u32  }
0x1e8: {  	s1 =	rddreg [dreg:$0x1];
	p0 =	sne.s32 s2, $0x0  }
0x1e9: {  	s3 =	rddreg [dreg:$0x2];
	[bflag:$0x3] =	sbarrier.arrive $0xFFFF;
	s2 =	simm.s32 @!p0 $0x1C03  }
0x1ea: {  	[timem:s3], [sflag:s2] =	dma.local @!p0 [hbm:s0], s1  }
0x1eb: {  	s0 =	simm.s32 @!p0 $0x3  }
0x1ec: {  	_ =	swait.ge @!p0 [sflag:s0], s1  }
0x1ed: {  	s1 =	ssub.s32 @!p0 $0x0, s1;
	[sflag:s0] =	ssyncset.done @!p0 $0x0  }
0x1ee: {  	[sflag:s0] =	ssyncadd.s32 @!p0 s1  }
0x1ef: {  	[bflag:$0x3] =	sbarrier.arrive $0xFFFF  }
0x1f0: {  	_ =	shalt  }

</sc_bundles>
